<compile_context>
chip_gen: v7x
topology: tpu7x:2x2x1
jax: 0.10.2.dev20260603
libtpu: 0.0.44.dev20260713+nightly
codegen_flags: <defaults>
</compile_context>

<pallas_src>
import functools

import jax
import jax.numpy as jnp
from jax import lax
from jax.experimental import pallas as pl
from jax.experimental.pallas import tpu as pltpu
from jax.experimental.pallas import tpu_sc as plsc

N = 10000
E = 320000
D = 128
NT = 16
NDUMP = 56
NACC = N + NDUMP
ROWS_PT = 624
TAIL0 = ROWS_PT * NT
A = 0.25

BLK = 368
EPT0_ES = (E // 2) // NT
NCH_ES = 28
EPT_ES = NCH_ES * BLK
EPT0_FS = E // NT
NCH_FS = 55
EPT_FS = NCH_FS * BLK

_MESH = plsc.VectorSubcoreMesh(core_axis_name="c", subcore_axis_name="s")



def _acc_init(zeros_hbm, acc, s):
    row0 = s * ROWS_PT
    pltpu.sync_copy(zeros_hbm.at[pl.ds(row0, ROWS_PT)],
                    acc.at[pl.ds(row0, ROWS_PT)])

    @pl.when(s == NT - 1)
    def _():
        pltpu.sync_copy(zeros_hbm.at[pl.ds(TAIL0, NACC - TAIL0)],
                        acc.at[pl.ds(TAIL0, NACC - TAIL0)])


def _acc_writeback(acc, out_hbm, c, s):
    row0 = s * ROWS_PT
    pltpu.sync_copy(acc.at[pl.ds(row0, ROWS_PT)],
                    out_hbm.at[pl.ds(c * N + row0, ROWS_PT)])

    @pl.when(s == NT - 1)
    def _():
        pltpu.sync_copy(acc.at[pl.ds(TAIL0, N - TAIL0)],
                        out_hbm.at[pl.ds(c * N + TAIL0, N - TAIL0)])


def _make_segsum(nch, sbase_fn, dbase_fn):

    @functools.partial(
        pl.kernel,
        out_type=jax.ShapeDtypeStruct((2 * N, D), jnp.float32),
        mesh=_MESH,
        scratch_types=[
            pltpu.VMEM((BLK,), jnp.int32),
            pltpu.VMEM((BLK,), jnp.int32),
            pltpu.VMEM((BLK,), jnp.int32),
            pltpu.VMEM((BLK,), jnp.int32),
            pltpu.VMEM((BLK, D), jnp.float32),
            pltpu.VMEM_SHARED((NACC, D), jnp.float32),
            pltpu.SemaphoreType.DMA,
            pltpu.SemaphoreType.DMA,
            pltpu.SemaphoreType.DMA,
        ],
    )
    def segsum_kernel(table_hbm, srcp_hbm, dstp_hbm, zeros_hbm, out_hbm,
                      sidx_a, didx_a, sidx_b, didx_b, rows_v, acc,
                      si_a, si_b, sg):
        c = lax.axis_index("c")
        s = lax.axis_index("s")
        sbase = sbase_fn(c, s)
        dbase = dbase_fn(c, s)

        def idx_load(k, sidx, didx, sem):
            pltpu.async_copy(srcp_hbm.at[pl.ds(sbase + k * BLK, BLK)], sidx, sem)
            pltpu.async_copy(dstp_hbm.at[pl.ds(dbase + k * BLK, BLK)], didx, sem)

        def idx_wait(k, sidx, didx, sem):
            pltpu.make_async_copy(
                srcp_hbm.at[pl.ds(sbase + k * BLK, BLK)], sidx, sem).wait()
            pltpu.make_async_copy(
                dstp_hbm.at[pl.ds(dbase + k * BLK, BLK)], didx, sem).wait()

        idx_load(0, sidx_a, didx_a, si_a)
        idx_load(1, sidx_b, didx_b, si_b)
        _acc_init(zeros_hbm, acc, s)
        plsc.subcore_barrier()

        def half(k, sidx_x, didx_x, si_x):
            idx_wait(k, sidx_x, didx_x, si_x)
            pltpu.async_copy(table_hbm.at[sidx_x], rows_v, sg).wait()
            pltpu.sync_copy(rows_v, acc.at[didx_x], add=True)

            @pl.when(k + 2 < nch)
            def _():
                idx_load(k + 2, sidx_x, didx_x, si_x)

        def body(kk, _):
            half(2 * kk, sidx_a, didx_a, si_a)
            half(2 * kk + 1, sidx_b, didx_b, si_b)
            return 0

        lax.fori_loop(0, nch // 2, body, 0)
        if nch % 2:
            half(nch - 1, sidx_a, didx_a, si_a)
        plsc.subcore_barrier()
        _acc_writeback(acc, out_hbm, c, s)

    return segsum_kernel


_segsum_es = _make_segsum(
    NCH_ES,
    lambda c, s: (c * NT + s) * EPT_ES,
    lambda c, s: (c * NT + s) * EPT_ES,
)
_segsum_fs = _make_segsum(
    NCH_FS,
    lambda c, s: (c * NT + s) * EPT_FS,
    lambda c, s: s * EPT_FS,
)



R = 1000
_GRID = (N // R,)
_TC_PARAMS = pltpu.CompilerParams(dimension_semantics=("arbitrary",))


K = 1024.0


def _recip_cnt(r_ref):
    return r_ref[:, :1]


def _prelu_tc(h):
    return jnp.where(h >= 0, h, A * h)


def _dot_t(x, w):
    return lax.dot_general(x, w, (((1,), (1,)), ((), ())),
                           preferred_element_type=jnp.float32)


def _pre_body(h_ref, w_ref, b_ref, o_ref):
    h = jnp.concatenate([h_ref[0], h_ref[1]], axis=1)
    o_ref[...] = _dot_t(h, w_ref[...]) + b_ref[...]


def _pre1_body(x_ref, w_ref, b_ref, o_ref):
    o_ref[...] = _dot_t(x_ref[...], w_ref[...]) + b_ref[...]


def _tc1_body(s1_ref, v1_ref, wl_ref, out_ref, r_ref):
    sshift = s1_ref[0] + s1_ref[1]
    cnt = jnp.round(sshift[:, :1] * (1.0 / K))
    r = 1.0 / jnp.maximum(cnt, 1.0)
    mean = (sshift - K * cnt) * r
    h = _prelu_tc(_dot_t(mean, wl_ref[...]) + v1_ref[...])
    out_ref[0] = h[:, :128]
    out_ref[1] = h[:, 128:]
    r_ref[...] = jnp.broadcast_to(r, (R, 128))


def _tc2_body(s2_ref, r_ref, u2_ref, w2l_ref, w3l_ref, h2_ref, p3_ref):
    mean = jnp.concatenate([s2_ref[0], s2_ref[1]], axis=1) * _recip_cnt(r_ref)
    h2 = _prelu_tc(_dot_t(mean, w2l_ref[...]) + u2_ref[...])
    p3 = _dot_t(h2, w3l_ref[...])
    h2_ref[0] = h2[:, :128]
    h2_ref[1] = h2[:, 128:]
    p3_ref[...] = p3


def _tc3_body(s3_ref, r_ref, q3_ref, bs_ref, fw_ref, out_ref):
    mean3 = (s3_ref[0] + s3_ref[1]) * _recip_cnt(r_ref)
    h3 = _prelu_tc(mean3 + q3_ref[...])
    rows = pl.program_id(0) * R + lax.broadcasted_iota(jnp.int32, (R, 128), 0)
    keep = (fw_ref[0] != 0) | (rows < bs_ref[0])
    out_ref[...] = jnp.where(keep, h3, 0.0)


def _blk2(dh):
    return pl.BlockSpec((2, R, dh), lambda i: (0, i, 0))


def _blk(dh):
    return pl.BlockSpec((R, dh), lambda i: (i, 0))


def _wspec(k, n):
    return pl.BlockSpec((k, n), lambda i: (0, 0))


_SMEM1 = pl.BlockSpec(memory_space=pltpu.SMEM)


def _pre(h, w, b, dout, halves):
    return pl.pallas_call(
        _pre_body if halves else _pre1_body,
        grid=_GRID,
        in_specs=[_blk2(128) if halves else _blk(128),
                  _wspec(dout, 256 if halves else 128), _wspec(1, dout)],
        out_specs=_blk(dout),
        out_shape=jax.ShapeDtypeStruct((N, dout), jnp.float32),
        compiler_params=_TC_PARAMS,
    )(h, w, b)


def _tc1(s1, v1, wl):
    return pl.pallas_call(
        _tc1_body,
        grid=_GRID,
        in_specs=[_blk2(128), _blk(256), _wspec(256, 128)],
        out_specs=[_blk2(128), _blk(128)],
        out_shape=[jax.ShapeDtypeStruct((2, N, 128), jnp.float32),
                   jax.ShapeDtypeStruct((N, 128), jnp.float32)],
        compiler_params=_TC_PARAMS,
    )(s1, v1, wl)


def _tc2(s2, r, u2, w2l, w3l):
    return pl.pallas_call(
        _tc2_body,
        grid=_GRID,
        in_specs=[_blk2(128), _blk(128), _blk(256),
                  _wspec(256, 256), _wspec(128, 256)],
        out_specs=[_blk2(128), _blk(128)],
        out_shape=[jax.ShapeDtypeStruct((2, N, 128), jnp.float32),
                   jax.ShapeDtypeStruct((N, 128), jnp.float32)],
        compiler_params=_TC_PARAMS,
    )(s2, r, u2, w2l, w3l)


def _tc3(s3, r, q3, bs, fw):
    return pl.pallas_call(
        _tc3_body,
        grid=_GRID,
        in_specs=[_blk2(128), _blk(128), _blk(128), _SMEM1, _SMEM1],
        out_specs=pl.BlockSpec((R, 128), lambda i: (i, 0)),
        out_shape=jax.ShapeDtypeStruct((N, 128), jnp.float32),
        compiler_params=_TC_PARAMS,
    )(s3, r, q3, bs, fw)



def kernel(x, edge_index, batch_size, framework,
           W1l, b1l, W1r, W2l, b2l, W2r, W3l, b3l, W3r):
    src = edge_index[0]
    dst = edge_index[1]

    src2 = jnp.concatenate([src, src + N])

    def _padded(idx2d, npad, nrows, dump):
        lead = idx2d.shape[:-1]
        j = jnp.arange(npad, dtype=jnp.int32)
        t = jnp.arange(idx2d.shape[-2], dtype=jnp.int32)
        if dump:
            pad = N + (t[:, None] * 7 + j[None, :]) % NDUMP
        else:
            pad = ((t[:, None] * 977 + j[None, :]) * 64) % nrows
        pad = jnp.broadcast_to(pad, lead + (npad,)).astype(jnp.int32)
        return jnp.concatenate([idx2d, pad], axis=-1).reshape(-1)

    pad_es = EPT_ES - EPT0_ES
    pad_fs = EPT_FS - EPT0_FS
    srcp_es = _padded(src.reshape(2, NT, EPT0_ES), pad_es, N, False)
    dstp_es = _padded(dst.reshape(2, NT, EPT0_ES), pad_es, N, True)
    srcp_fs = _padded(src2.reshape(2, NT, EPT0_FS), pad_fs, 2 * N, False)
    dstp_fs = _padded(dst.reshape(NT, EPT0_FS), pad_fs, N, True)

    z128 = jnp.zeros((NACC, 128), jnp.float32)
    bs = jnp.asarray(batch_size, jnp.int32).reshape(1)
    fw = jnp.asarray(framework, jnp.int32).reshape(1)

    s1 = _segsum_es(x + 1024.0, srcp_es, dstp_es, z128).reshape(2, N, 128)
    v1 = _pre(x, W1r, b1l.reshape(1, 256), 256, halves=False)
    h1, r = _tc1(s1, v1, W1l)

    h1f = h1.reshape(2 * N, 128)
    s2 = _segsum_fs(h1f, srcp_fs, dstp_fs, z128).reshape(2, N, 128)
    u2 = _pre(h1, W2r, b2l.reshape(1, 256), 256, halves=True)
    h2, p3 = _tc2(s2, r, u2, W2l, W3l)

    s3 = _segsum_es(p3, srcp_es, dstp_es, z128).reshape(2, N, 128)
    q3 = _pre(h2, W3r, b3l.reshape(1, 128), 128, halves=True)
    out = _tc3(s3, r, q3, bs, fw)
    return out

# --- scband reference (transcript-rebuilt; emitter-appended) ---
"""Pipeline reference for scband-encoder-without-flex-fronts-graphsage-3410204033149 (READ-ONLY COPY).

The authoritative reference and input builder live on the scoring server;
editing this copy changes nothing except your own understanding.
"""

import jax, jax.numpy as jnp
import numpy as np

N = 10000
E = 320000
D_IN = 128
D_H = 256
D_OUT = 128
PRELU_A = 0.25  # torch.nn.PReLU default init; created fresh in forward, so constant


def setup_inputs(seed: int = 0) -> dict:
    key = jax.random.key(seed)
    ks = jax.random.split(key, 12)
    x = jax.random.normal(ks[0], (N, D_IN), dtype=jnp.float32)
    edge_index = jax.random.randint(ks[1], (2, E), 0, N, dtype=jnp.int32)
    s = 0.05
    W1l = jax.random.normal(ks[2], (D_H, D_IN), dtype=jnp.float32) * s
    b1l = jnp.zeros((D_H,), dtype=jnp.float32)
    W1r = jax.random.normal(ks[3], (D_H, D_IN), dtype=jnp.float32) * s
    W2l = jax.random.normal(ks[4], (D_H, D_H), dtype=jnp.float32) * s
    b2l = jnp.zeros((D_H,), dtype=jnp.float32)
    W2r = jax.random.normal(ks[5], (D_H, D_H), dtype=jnp.float32) * s
    W3l = jax.random.normal(ks[6], (D_OUT, D_H), dtype=jnp.float32) * s
    b3l = jnp.zeros((D_OUT,), dtype=jnp.float32)
    W3r = jax.random.normal(ks[7], (D_OUT, D_H), dtype=jnp.float32) * s
    return {
        "x": x, "edge_index": edge_index, "batch_size": 1024, "framework": 1,
        "W1l": W1l, "b1l": b1l, "W1r": W1r,
        "W2l": W2l, "b2l": b2l, "W2r": W2r,
        "W3l": W3l, "b3l": b3l, "W3r": W3r,
    }


def _sage_conv(x, edge_index, Wl, bl, Wr):
    # PyG SAGEConv default: mean aggregation of source features into targets,
    # out = lin_l(mean_aggr) + lin_r(x); lin_l has bias, lin_r does not.
    src = edge_index[0]
    dst = edge_index[1]
    n = x.shape[0]
    msg = x[src]
    summed = jax.ops.segment_sum(msg, dst, num_segments=n)
    cnt = jax.ops.segment_sum(jnp.ones((dst.shape[0],), dtype=x.dtype), dst, num_segments=n)
    mean = summed / jnp.maximum(cnt, 1.0)[:, None]
    return mean @ Wl.T + bl + x @ Wr.T


def _prelu(h, a=PRELU_A):
    return jnp.where(h >= 0, h, a * h)


def reference(x, edge_index, batch_size, framework, W1l, b1l, W1r, W2l, b2l, W2r, W3l, b3l, W3r):
    h = _prelu(_sage_conv(x, edge_index, W1l, b1l, W1r))
    h = _prelu(_sage_conv(h, edge_index, W2l, b2l, W2r))
    h = _prelu(_sage_conv(h, edge_index, W3l, b3l, W3r))
    row_mask = (jnp.arange(h.shape[0]) < batch_size)[:, None]
    truncated = jnp.where(row_mask, h, jnp.zeros((), dtype=h.dtype))
    return jnp.where(framework != 0, h, truncated)

if __name__ == "__main__":
    import jax
    _d = setup_inputs()
    print(jax.jit(kernel)(*tuple(_d.values())))

</pallas_src>

<mosaic_0001>
#map = affine_map<(d0, d1) -> (0, 0)>
#map1 = affine_map<(d0, d1) -> (0)>
module attributes {stable_mosaic.version = 14 : i64} {
  func.func @segsum_kernel(%arg0: i32, %arg1: i32, %arg2: memref<10000x128xf32, #tpu.memory_space<hbm>>, %arg3: memref<329728xi32, #tpu.memory_space<hbm>>, %arg4: memref<329728xi32, #tpu.memory_space<hbm>>, %arg5: memref<10056x128xf32, #tpu.memory_space<hbm>>, %arg6: memref<20000x128xf32, #tpu.memory_space<hbm>>, %arg7: memref<368xi32, #tpu.memory_space<vmem>>, %arg8: memref<368xi32, #tpu.memory_space<vmem>>, %arg9: memref<368xi32, #tpu.memory_space<vmem>>, %arg10: memref<368xi32, #tpu.memory_space<vmem>>, %arg11: memref<368x128xf32, #tpu.memory_space<vmem>>, %arg12: memref<10056x128xf32, #tpu.memory_space<vmem_shared>>, %arg13: memref<!tpu.dma_semaphore, #tpu.memory_space<semaphore_mem>>, %arg14: memref<!tpu.dma_semaphore, #tpu.memory_space<semaphore_mem>>, %arg15: memref<!tpu.dma_semaphore, #tpu.memory_space<semaphore_mem>>) attributes {dimension_semantics = [#tpu.dimension_semantics<core_parallel>, #tpu.dimension_semantics<subcore_parallel>], iteration_bounds = array<i64: 2, 16>, scalar_prefetch = 0 : i64, scratch_operands = 9 : i64, tpu.core_type = #tpu.core_type<sc_vector_subcore>, window_params = [{transform_indices = #map}, {transform_indices = #map1}, {transform_indices = #map1}, {transform_indices = #map}, {transform_indices = #map}]} {
    %mul3A = arith.constant 16 : i32
    %mul3A_0 = arith.muli %arg0, %mul3A : i32
    %add3A = arith.addi %mul3A_0, %arg1 : i32
    %mul3A_1 = arith.constant 10304 : i32
    %mul3A_2 = arith.muli %add3A, %mul3A_1 : i32
    %mul3A_3 = arith.constant 16 : i32
    %mul3A_4 = arith.muli %arg0, %mul3A_3 : i32
    %add3A_5 = arith.addi %mul3A_4, %arg1 : i32
    %mul3A_6 = arith.constant 10304 : i32
    %mul3A_7 = arith.muli %add3A_5, %mul3A_6 : i32
    %add3A_8 = arith.constant 0 : i32
    %add3A_9 = arith.addi %mul3A_2, %add3A_8 : i32
    %dma_start3A = tpu.memref_slice %arg3[%add3A_9] : memref<329728xi32, #tpu.memory_space<hbm>> -> memref<368xi32, #tpu.memory_space<hbm>>
    %dma_start3A_10 = tpu.memref_slice %arg3[%add3A_9] : memref<329728xi32, #tpu.memory_space<hbm>> -> memref<368xi32, #tpu.memory_space<hbm>>
    tpu.enqueue_dma source(%dma_start3A_10 : memref<368xi32, #tpu.memory_space<hbm>>) target(%arg7 : memref<368xi32, #tpu.memory_space<vmem>>) target_semaphore(%arg13 : memref<!tpu.dma_semaphore, #tpu.memory_space<semaphore_mem>>)
    %add3A_11 = arith.constant 0 : i32
    %add3A_12 = arith.addi %mul3A_7, %add3A_11 : i32
    %dma_start3A_13 = tpu.memref_slice %arg4[%add3A_12] : memref<329728xi32, #tpu.memory_space<hbm>> -> memref<368xi32, #tpu.memory_space<hbm>>
    %dma_start3A_14 = tpu.memref_slice %arg4[%add3A_12] : memref<329728xi32, #tpu.memory_space<hbm>> -> memref<368xi32, #tpu.memory_space<hbm>>
    tpu.enqueue_dma source(%dma_start3A_14 : memref<368xi32, #tpu.memory_space<hbm>>) target(%arg8 : memref<368xi32, #tpu.memory_space<vmem>>) target_semaphore(%arg13 : memref<!tpu.dma_semaphore, #tpu.memory_space<semaphore_mem>>)
    %add3A_15 = arith.constant 368 : i32
    %add3A_16 = arith.addi %mul3A_2, %add3A_15 : i32
    %dma_start3A_17 = tpu.memref_slice %arg3[%add3A_16] : memref<329728xi32, #tpu.memory_space<hbm>> -> memref<368xi32, #tpu.memory_space<hbm>>
    %dma_start3A_18 = tpu.memref_slice %arg3[%add3A_16] : memref<329728xi32, #tpu.memory_space<hbm>> -> memref<368xi32, #tpu.memory_space<hbm>>
    tpu.enqueue_dma source(%dma_start3A_18 : memref<368xi32, #tpu.memory_space<hbm>>) target(%arg9 : memref<368xi32, #tpu.memory_space<vmem>>) target_semaphore(%arg14 : memref<!tpu.dma_semaphore, #tpu.memory_space<semaphore_mem>>)
    %add3A_19 = arith.constant 368 : i32
    %add3A_20 = arith.addi %mul3A_7, %add3A_19 : i32
    %dma_start3A_21 = tpu.memref_slice %arg4[%add3A_20] : memref<329728xi32, #tpu.memory_space<hbm>> -> memref<368xi32, #tpu.memory_space<hbm>>
    %dma_start3A_22 = tpu.memref_slice %arg4[%add3A_20] : memref<329728xi32, #tpu.memory_space<hbm>> -> memref<368xi32, #tpu.memory_space<hbm>>
    tpu.enqueue_dma source(%dma_start3A_22 : memref<368xi32, #tpu.memory_space<hbm>>) target(%arg10 : memref<368xi32, #tpu.memory_space<vmem>>) target_semaphore(%arg14 : memref<!tpu.dma_semaphore, #tpu.memory_space<semaphore_mem>>)
    %mul3A_23 = arith.constant 624 : i32
    %mul3A_24 = arith.muli %arg1, %mul3A_23 : i32
    "tpu.region"() ({
      %run_scoped3A = tpu.sem_alloc : memref<!tpu.dma_semaphore, #tpu.memory_space<semaphore_mem>>
      %dma_start3A_44 = arith.constant 0 : i32
      %dma_start3A_45 = tpu.memref_slice %arg12[%mul3A_24, %dma_start3A_44] : memref<10056x128xf32, #tpu.memory_space<vmem_shared>> -> memref<624x128xf32, #tpu.memory_space<vmem_shared>>
      %dma_start3A_46 = arith.constant 0 : i32
      %dma_start3A_47 = tpu.memref_slice %arg5[%mul3A_24, %dma_start3A_46] : memref<10056x128xf32, #tpu.memory_space<hbm>> -> memref<624x128xf32, #tpu.memory_space<hbm>>
      tpu.enqueue_dma source(%dma_start3A_47 : memref<624x128xf32, #tpu.memory_space<hbm>>) target(%dma_start3A_45 : memref<624x128xf32, #tpu.memory_space<vmem_shared>>) target_semaphore(%run_scoped3A : memref<!tpu.dma_semaphore, #tpu.memory_space<semaphore_mem>>)
      %dma_wait3A = arith.constant 0 : i32
      %dma_wait3A_48 = tpu.memref_slice %arg12[%mul3A_24, %dma_wait3A] : memref<10056x128xf32, #tpu.memory_space<vmem_shared>> -> memref<624x128xf32, #tpu.memory_space<vmem_shared>>
      %dma_wait3A_49 = arith.constant 0 : i32
      %dma_wait3A_50 = tpu.memref_slice %arg5[%mul3A_24, %dma_wait3A_49] : memref<10056x128xf32, #tpu.memory_space<hbm>> -> memref<624x128xf32, #tpu.memory_space<hbm>>
      tpu.wait_dma2 semaphore(%run_scoped3A : memref<!tpu.dma_semaphore, #tpu.memory_space<semaphore_mem>>) src(%dma_wait3A_50 : memref<624x128xf32, #tpu.memory_space<hbm>>) dst(%dma_wait3A_48 : memref<624x128xf32, #tpu.memory_space<vmem_shared>>)
      tpu.yield
    }) : () -> ()
    %eq3A = arith.constant 15 : i32
    %eq3A_25 = arith.cmpi eq, %arg1, %eq3A : i32
    %convert_element_type3A = arith.extui %eq3A_25 : i1 to i32
    %cond3A = arith.constant 0 : i32
    %cond3A_26 = arith.cmpi ne, %convert_element_type3A, %cond3A : i32
    scf.if %cond3A_26 {
      "tpu.region"() ({
        %run_scoped3A = tpu.sem_alloc : memref<!tpu.dma_semaphore, #tpu.memory_space<semaphore_mem>>
        %dma_start3A_44 = arith.constant 9984 : i32
        %dma_start3A_45 = arith.constant 0 : i32
        %dma_start3A_46 = tpu.memref_slice %arg12[%dma_start3A_44, %dma_start3A_45] : memref<10056x128xf32, #tpu.memory_space<vmem_shared>> -> memref<72x128xf32, #tpu.memory_space<vmem_shared>>
        %dma_start3A_47 = arith.constant 9984 : i32
        %dma_start3A_48 = arith.constant 0 : i32
        %dma_start3A_49 = tpu.memref_slice %arg5[%dma_start3A_47, %dma_start3A_48] : memref<10056x128xf32, #tpu.memory_space<hbm>> -> memref<72x128xf32, #tpu.memory_space<hbm>>
        tpu.enqueue_dma source(%dma_start3A_49 : memref<72x128xf32, #tpu.memory_space<hbm>>) target(%dma_start3A_46 : memref<72x128xf32, #tpu.memory_space<vmem_shared>>) target_semaphore(%run_scoped3A : memref<!tpu.dma_semaphore, #tpu.memory_space<semaphore_mem>>)
        %dma_wait3A = arith.constant 9984 : i32
        %dma_wait3A_50 = arith.constant 0 : i32
        %dma_wait3A_51 = tpu.memref_slice %arg12[%dma_wait3A, %dma_wait3A_50] : memref<10056x128xf32, #tpu.memory_space<vmem_shared>> -> memref<72x128xf32, #tpu.memory_space<vmem_shared>>
        %dma_wait3A_52 = arith.constant 9984 : i32
        %dma_wait3A_53 = arith.constant 0 : i32
        %dma_wait3A_54 = tpu.memref_slice %arg5[%dma_wait3A_52, %dma_wait3A_53] : memref<10056x128xf32, #tpu.memory_space<hbm>> -> memref<72x128xf32, #tpu.memory_space<hbm>>
        tpu.wait_dma2 semaphore(%run_scoped3A : memref<!tpu.dma_semaphore, #tpu.memory_space<semaphore_mem>>) src(%dma_wait3A_54 : memref<72x128xf32, #tpu.memory_space<hbm>>) dst(%dma_wait3A_51 : memref<72x128xf32, #tpu.memory_space<vmem_shared>>)
        tpu.yield
      }) : () -> ()
    } else {
    }
    %barrier3A = arith.constant 0 : index
    tpu.barrier barrier_id(%barrier3A)
    %scan3A = arith.constant 0 : i32
    %scan3A_27 = arith.constant 0 : i32
    %scan3A_28 = arith.constant 14 : i32
    %scan3A_29 = arith.addi %scan3A_27, %scan3A_28 : i32
    %scan3A_30 = arith.constant 1 : i32
    %scan3A_31 = scf.for %scan3A_44 = %scan3A_27 to %scan3A_29 step %scan3A_30 iter_args(%scan3A_45 = %scan3A) -> (i32)  : i32 {
      %mul3A_46 = arith.constant 2 : i32
      %mul3A_47 = arith.muli %mul3A_46, %scan3A_44 : i32
      %mul3A_48 = arith.constant 368 : i32
      %mul3A_49 = arith.muli %mul3A_47, %mul3A_48 : i32
      %add3A_50 = arith.addi %mul3A_2, %mul3A_49 : i32
      %dma_wait3A = tpu.memref_slice %arg3[%add3A_50] : memref<329728xi32, #tpu.memory_space<hbm>> -> memref<368xi32, #tpu.memory_space<hbm>>
      %dma_wait3A_51 = tpu.memref_slice %arg3[%add3A_50] : memref<329728xi32, #tpu.memory_space<hbm>> -> memref<368xi32, #tpu.memory_space<hbm>>
      tpu.wait_dma2 semaphore(%arg13 : memref<!tpu.dma_semaphore, #tpu.memory_space<semaphore_mem>>) src(%dma_wait3A_51 : memref<368xi32, #tpu.memory_space<hbm>>) dst(%arg7 : memref<368xi32, #tpu.memory_space<vmem>>)
      %mul3A_52 = arith.constant 368 : i32
      %mul3A_53 = arith.muli %mul3A_47, %mul3A_52 : i32
      %add3A_54 = arith.addi %mul3A_7, %mul3A_53 : i32
      %dma_wait3A_55 = tpu.memref_slice %arg4[%add3A_54] : memref<329728xi32, #tpu.memory_space<hbm>> -> memref<368xi32, #tpu.memory_space<hbm>>
      %dma_wait3A_56 = tpu.memref_slice %arg4[%add3A_54] : memref<329728xi32, #tpu.memory_space<hbm>> -> memref<368xi32, #tpu.memory_space<hbm>>
      tpu.wait_dma2 semaphore(%arg13 : memref<!tpu.dma_semaphore, #tpu.memory_space<semaphore_mem>>) src(%dma_wait3A_56 : memref<368xi32, #tpu.memory_space<hbm>>) dst(%arg8 : memref<368xi32, #tpu.memory_space<vmem>>)
      %dma_start3A_57 = arith.constant 0 : i32
      %dma_start3A_58 = arith.constant 0 : i32
      %dma_start3A_59 = tpu.memref_slice %arg2[%dma_start3A_57, %dma_start3A_58] : memref<10000x128xf32, #tpu.memory_space<hbm>> -> memref<10000x128xf32, #tpu.memory_space<hbm>>
      tpu.enqueue_indirect_dma source(%dma_start3A_59 : memref<10000x128xf32, #tpu.memory_space<hbm>>) target(%arg11 : memref<368x128xf32, #tpu.memory_space<vmem>>) offsets(%arg7 : memref<368xi32, #tpu.memory_space<vmem>>) semaphore(%arg15 : memref<!tpu.dma_semaphore, #tpu.memory_space<semaphore_mem>>)
      %dma_wait3A_60 = arith.constant 0 : i32
      %dma_wait3A_61 = arith.constant 0 : i32
      %dma_wait3A_62 = tpu.memref_slice %arg2[%dma_wait3A_60, %dma_wait3A_61] : memref<10000x128xf32, #tpu.memory_space<hbm>> -> memref<10000x128xf32, #tpu.memory_space<hbm>>
      tpu.wait_indirect_dma semaphore(%arg15 : memref<!tpu.dma_semaphore, #tpu.memory_space<semaphore_mem>>) src(%dma_wait3A_62 : memref<10000x128xf32, #tpu.memory_space<hbm>>) dst(%arg11 : memref<368x128xf32, #tpu.memory_space<vmem>>)
      "tpu.region"() ({
        %run_scoped3A = tpu.sem_alloc : memref<!tpu.dma_semaphore, #tpu.memory_space<semaphore_mem>>
        %dma_start3A_97 = arith.constant 0 : i32
        %dma_start3A_98 = arith.constant 0 : i32
        %dma_start3A_99 = tpu.memref_slice %arg12[%dma_start3A_97, %dma_start3A_98] : memref<10056x128xf32, #tpu.memory_space<vmem_shared>> -> memref<10056x128xf32, #tpu.memory_space<vmem_shared>>
        tpu.enqueue_indirect_dma source(%arg11 : memref<368x128xf32, #tpu.memory_space<vmem>>) target(%dma_start3A_99 : memref<10056x128xf32, #tpu.memory_space<vmem_shared>>) offsets(%arg8 : memref<368xi32, #tpu.memory_space<vmem>>) semaphore(%run_scoped3A : memref<!tpu.dma_semaphore, #tpu.memory_space<semaphore_mem>>) {add = true}
        %dma_wait3A_100 = arith.constant 0 : i32
        %dma_wait3A_101 = arith.constant 0 : i32
        %dma_wait3A_102 = tpu.memref_slice %arg12[%dma_wait3A_100, %dma_wait3A_101] : memref<10056x128xf32, #tpu.memory_space<vmem_shared>> -> memref<10056x128xf32, #tpu.memory_space<vmem_shared>>
        tpu.wait_indirect_dma semaphore(%run_scoped3A : memref<!tpu.dma_semaphore, #tpu.memory_space<semaphore_mem>>) src(%arg11 : memref<368x128xf32, #tpu.memory_space<vmem>>) dst(%dma_wait3A_102 : memref<10056x128xf32, #tpu.memory_space<vmem_shared>>)
        tpu.yield
      }) : () -> ()
      %add3A_63 = arith.constant 2 : i32
      %add3A_64 = arith.addi %mul3A_47, %add3A_63 : i32
      %lt3A = arith.constant 28 : i32
      %lt3A_65 = arith.cmpi slt, %add3A_64, %lt3A : i32
      %convert_element_type3A_66 = arith.extui %lt3A_65 : i1 to i32
      %cond3A_67 = arith.constant 0 : i32
      %cond3A_68 = arith.cmpi ne, %convert_element_type3A_66, %cond3A_67 : i32
      scf.if %cond3A_68 {
        %add3A_97 = arith.constant 2 : i32
        %add3A_98 = arith.addi %mul3A_47, %add3A_97 : i32
        %mul3A_99 = arith.constant 368 : i32
        %mul3A_100 = arith.muli %add3A_98, %mul3A_99 : i32
        %add3A_101 = arith.addi %mul3A_2, %mul3A_100 : i32
        %dma_start3A_102 = tpu.memref_slice %arg3[%add3A_101] : memref<329728xi32, #tpu.memory_space<hbm>> -> memref<368xi32, #tpu.memory_space<hbm>>
        %dma_start3A_103 = tpu.memref_slice %arg3[%add3A_101] : memref<329728xi32, #tpu.memory_space<hbm>> -> memref<368xi32, #tpu.memory_space<hbm>>
        tpu.enqueue_dma source(%dma_start3A_103 : memref<368xi32, #tpu.memory_space<hbm>>) target(%arg7 : memref<368xi32, #tpu.memory_space<vmem>>) target_semaphore(%arg13 : memref<!tpu.dma_semaphore, #tpu.memory_space<semaphore_mem>>)
        %mul3A_104 = arith.constant 368 : i32
        %mul3A_105 = arith.muli %add3A_98, %mul3A_104 : i32
        %add3A_106 = arith.addi %mul3A_7, %mul3A_105 : i32
        %dma_start3A_107 = tpu.memref_slice %arg4[%add3A_106] : memref<329728xi32, #tpu.memory_space<hbm>> -> memref<368xi32, #tpu.memory_space<hbm>>
        %dma_start3A_108 = tpu.memref_slice %arg4[%add3A_106] : memref<329728xi32, #tpu.memory_space<hbm>> -> memref<368xi32, #tpu.memory_space<hbm>>
        tpu.enqueue_dma source(%dma_start3A_108 : memref<368xi32, #tpu.memory_space<hbm>>) target(%arg8 : memref<368xi32, #tpu.memory_space<vmem>>) target_semaphore(%arg13 : memref<!tpu.dma_semaphore, #tpu.memory_space<semaphore_mem>>)
      } else {
      }
      %mul3A_69 = arith.constant 2 : i32
      %mul3A_70 = arith.muli %mul3A_69, %scan3A_44 : i32
      %add3A_71 = arith.constant 1 : i32
      %add3A_72 = arith.addi %mul3A_70, %add3A_71 : i32
      %mul3A_73 = arith.constant 368 : i32
      %mul3A_74 = arith.muli %add3A_72, %mul3A_73 : i32
      %add3A_75 = arith.addi %mul3A_2, %mul3A_74 : i32
      %dma_wait3A_76 = tpu.memref_slice %arg3[%add3A_75] : memref<329728xi32, #tpu.memory_space<hbm>> -> memref<368xi32, #tpu.memory_space<hbm>>
      %dma_wait3A_77 = tpu.memref_slice %arg3[%add3A_75] : memref<329728xi32, #tpu.memory_space<hbm>> -> memref<368xi32, #tpu.memory_space<hbm>>
      tpu.wait_dma2 semaphore(%arg14 : memref<!tpu.dma_semaphore, #tpu.memory_space<semaphore_mem>>) src(%dma_wait3A_77 : memref<368xi32, #tpu.memory_space<hbm>>) dst(%arg9 : memref<368xi32, #tpu.memory_space<vmem>>)
      %mul3A_78 = arith.constant 368 : i32
      %mul3A_79 = arith.muli %add3A_72, %mul3A_78 : i32
      %add3A_80 = arith.addi %mul3A_7, %mul3A_79 : i32
      %dma_wait3A_81 = tpu.memref_slice %arg4[%add3A_80] : memref<329728xi32, #tpu.memory_space<hbm>> -> memref<368xi32, #tpu.memory_space<hbm>>
      %dma_wait3A_82 = tpu.memref_slice %arg4[%add3A_80] : memref<329728xi32, #tpu.memory_space<hbm>> -> memref<368xi32, #tpu.memory_space<hbm>>
      tpu.wait_dma2 semaphore(%arg14 : memref<!tpu.dma_semaphore, #tpu.memory_space<semaphore_mem>>) src(%dma_wait3A_82 : memref<368xi32, #tpu.memory_space<hbm>>) dst(%arg10 : memref<368xi32, #tpu.memory_space<vmem>>)
      %dma_start3A_83 = arith.constant 0 : i32
      %dma_start3A_84 = arith.constant 0 : i32
      %dma_start3A_85 = tpu.memref_slice %arg2[%dma_start3A_83, %dma_start3A_84] : memref<10000x128xf32, #tpu.memory_space<hbm>> -> memref<10000x128xf32, #tpu.memory_space<hbm>>
      tpu.enqueue_indirect_dma source(%dma_start3A_85 : memref<10000x128xf32, #tpu.memory_space<hbm>>) target(%arg11 : memref<368x128xf32, #tpu.memory_space<vmem>>) offsets(%arg9 : memref<368xi32, #tpu.memory_space<vmem>>) semaphore(%arg15 : memref<!tpu.dma_semaphore, #tpu.memory_space<semaphore_mem>>)
      %dma_wait3A_86 = arith.constant 0 : i32
      %dma_wait3A_87 = arith.constant 0 : i32
      %dma_wait3A_88 = tpu.memref_slice %arg2[%dma_wait3A_86, %dma_wait3A_87] : memref<10000x128xf32, #tpu.memory_space<hbm>> -> memref<10000x128xf32, #tpu.memory_space<hbm>>
      tpu.wait_indirect_dma semaphore(%arg15 : memref<!tpu.dma_semaphore, #tpu.memory_space<semaphore_mem>>) src(%dma_wait3A_88 : memref<10000x128xf32, #tpu.memory_space<hbm>>) dst(%arg11 : memref<368x128xf32, #tpu.memory_space<vmem>>)
      "tpu.region"() ({
        %run_scoped3A = tpu.sem_alloc : memref<!tpu.dma_semaphore, #tpu.memory_space<semaphore_mem>>
        %dma_start3A_97 = arith.constant 0 : i32
        %dma_start3A_98 = arith.constant 0 : i32
        %dma_start3A_99 = tpu.memref_slice %arg12[%dma_start3A_97, %dma_start3A_98] : memref<10056x128xf32, #tpu.memory_space<vmem_shared>> -> memref<10056x128xf32, #tpu.memory_space<vmem_shared>>
        tpu.enqueue_indirect_dma source(%arg11 : memref<368x128xf32, #tpu.memory_space<vmem>>) target(%dma_start3A_99 : memref<10056x128xf32, #tpu.memory_space<vmem_shared>>) offsets(%arg10 : memref<368xi32, #tpu.memory_space<vmem>>) semaphore(%run_scoped3A : memref<!tpu.dma_semaphore, #tpu.memory_space<semaphore_mem>>) {add = true}
        %dma_wait3A_100 = arith.constant 0 : i32
        %dma_wait3A_101 = arith.constant 0 : i32
        %dma_wait3A_102 = tpu.memref_slice %arg12[%dma_wait3A_100, %dma_wait3A_101] : memref<10056x128xf32, #tpu.memory_space<vmem_shared>> -> memref<10056x128xf32, #tpu.memory_space<vmem_shared>>
        tpu.wait_indirect_dma semaphore(%run_scoped3A : memref<!tpu.dma_semaphore, #tpu.memory_space<semaphore_mem>>) src(%arg11 : memref<368x128xf32, #tpu.memory_space<vmem>>) dst(%dma_wait3A_102 : memref<10056x128xf32, #tpu.memory_space<vmem_shared>>)
        tpu.yield
      }) : () -> ()
      %add3A_89 = arith.constant 2 : i32
      %add3A_90 = arith.addi %add3A_72, %add3A_89 : i32
      %lt3A_91 = arith.constant 28 : i32
      %lt3A_92 = arith.cmpi slt, %add3A_90, %lt3A_91 : i32
      %convert_element_type3A_93 = arith.extui %lt3A_92 : i1 to i32
      %cond3A_94 = arith.constant 0 : i32
      %cond3A_95 = arith.cmpi ne, %convert_element_type3A_93, %cond3A_94 : i32
      scf.if %cond3A_95 {
        %add3A_97 = arith.constant 2 : i32
        %add3A_98 = arith.addi %add3A_72, %add3A_97 : i32
        %mul3A_99 = arith.constant 368 : i32
        %mul3A_100 = arith.muli %add3A_98, %mul3A_99 : i32
        %add3A_101 = arith.addi %mul3A_2, %mul3A_100 : i32
        %dma_start3A_102 = tpu.memref_slice %arg3[%add3A_101] : memref<329728xi32, #tpu.memory_space<hbm>> -> memref<368xi32, #tpu.memory_space<hbm>>
        %dma_start3A_103 = tpu.memref_slice %arg3[%add3A_101] : memref<329728xi32, #tpu.memory_space<hbm>> -> memref<368xi32, #tpu.memory_space<hbm>>
        tpu.enqueue_dma source(%dma_start3A_103 : memref<368xi32, #tpu.memory_space<hbm>>) target(%arg9 : memref<368xi32, #tpu.memory_space<vmem>>) target_semaphore(%arg14 : memref<!tpu.dma_semaphore, #tpu.memory_space<semaphore_mem>>)
        %mul3A_104 = arith.constant 368 : i32
        %mul3A_105 = arith.muli %add3A_98, %mul3A_104 : i32
        %add3A_106 = arith.addi %mul3A_7, %mul3A_105 : i32
        %dma_start3A_107 = tpu.memref_slice %arg4[%add3A_106] : memref<329728xi32, #tpu.memory_space<hbm>> -> memref<368xi32, #tpu.memory_space<hbm>>
        %dma_start3A_108 = tpu.memref_slice %arg4[%add3A_106] : memref<329728xi32, #tpu.memory_space<hbm>> -> memref<368xi32, #tpu.memory_space<hbm>>
        tpu.enqueue_dma source(%dma_start3A_108 : memref<368xi32, #tpu.memory_space<hbm>>) target(%arg10 : memref<368xi32, #tpu.memory_space<vmem>>) target_semaphore(%arg14 : memref<!tpu.dma_semaphore, #tpu.memory_space<semaphore_mem>>)
      } else {
      }
      %scan3A_96 = arith.constant 0 : i32
      scf.yield %scan3A_96 : i32
    }
    %scan3A_32 = arith.constant 14 : i32
    %barrier3A_33 = arith.constant 0 : index
    tpu.barrier barrier_id(%barrier3A_33)
    %mul3A_34 = arith.constant 624 : i32
    %mul3A_35 = arith.muli %arg1, %mul3A_34 : i32
    %mul3A_36 = arith.constant 10000 : i32
    %mul3A_37 = arith.muli %arg0, %mul3A_36 : i32
    %add3A_38 = arith.addi %mul3A_37, %mul3A_35 : i32
    "tpu.region"() ({
      %run_scoped3A = tpu.sem_alloc : memref<!tpu.dma_semaphore, #tpu.memory_space<semaphore_mem>>
      %dma_start3A_44 = arith.constant 0 : i32
      %dma_start3A_45 = tpu.memref_slice %arg6[%add3A_38, %dma_start3A_44] : memref<20000x128xf32, #tpu.memory_space<hbm>> -> memref<624x128xf32, #tpu.memory_space<hbm>>
      %dma_start3A_46 = arith.constant 0 : i32
      %dma_start3A_47 = tpu.memref_slice %arg12[%mul3A_35, %dma_start3A_46] : memref<10056x128xf32, #tpu.memory_space<vmem_shared>> -> memref<624x128xf32, #tpu.memory_space<vmem_shared>>
      tpu.enqueue_dma source(%dma_start3A_47 : memref<624x128xf32, #tpu.memory_space<vmem_shared>>) target(%dma_start3A_45 : memref<624x128xf32, #tpu.memory_space<hbm>>) target_semaphore(%run_scoped3A : memref<!tpu.dma_semaphore, #tpu.memory_space<semaphore_mem>>)
      %dma_wait3A = arith.constant 0 : i32
      %dma_wait3A_48 = tpu.memref_slice %arg6[%add3A_38, %dma_wait3A] : memref<20000x128xf32, #tpu.memory_space<hbm>> -> memref<624x128xf32, #tpu.memory_space<hbm>>
      %dma_wait3A_49 = arith.constant 0 : i32
      %dma_wait3A_50 = tpu.memref_slice %arg12[%mul3A_35, %dma_wait3A_49] : memref<10056x128xf32, #tpu.memory_space<vmem_shared>> -> memref<624x128xf32, #tpu.memory_space<vmem_shared>>
      tpu.wait_dma2 semaphore(%run_scoped3A : memref<!tpu.dma_semaphore, #tpu.memory_space<semaphore_mem>>) src(%dma_wait3A_50 : memref<624x128xf32, #tpu.memory_space<vmem_shared>>) dst(%dma_wait3A_48 : memref<624x128xf32, #tpu.memory_space<hbm>>)
      tpu.yield
    }) : () -> ()
    %eq3A_39 = arith.constant 15 : i32
    %eq3A_40 = arith.cmpi eq, %arg1, %eq3A_39 : i32
    %convert_element_type3A_41 = arith.extui %eq3A_40 : i1 to i32
    %cond3A_42 = arith.constant 0 : i32
    %cond3A_43 = arith.cmpi ne, %convert_element_type3A_41, %cond3A_42 : i32
    scf.if %cond3A_43 {
      %mul3A_44 = arith.constant 10000 : i32
      %mul3A_45 = arith.muli %arg0, %mul3A_44 : i32
      %add3A_46 = arith.constant 9984 : i32
      %add3A_47 = arith.addi %mul3A_45, %add3A_46 : i32
      "tpu.region"() ({
        %run_scoped3A = tpu.sem_alloc : memref<!tpu.dma_semaphore, #tpu.memory_space<semaphore_mem>>
        %dma_start3A_48 = arith.constant 0 : i32
        %dma_start3A_49 = tpu.memref_slice %arg6[%add3A_47, %dma_start3A_48] : memref<20000x128xf32, #tpu.memory_space<hbm>> -> memref<16x128xf32, #tpu.memory_space<hbm>>
        %dma_start3A_50 = arith.constant 9984 : i32
        %dma_start3A_51 = arith.constant 0 : i32
        %dma_start3A_52 = tpu.memref_slice %arg12[%dma_start3A_50, %dma_start3A_51] : memref<10056x128xf32, #tpu.memory_space<vmem_shared>> -> memref<16x128xf32, #tpu.memory_space<vmem_shared>>
        tpu.enqueue_dma source(%dma_start3A_52 : memref<16x128xf32, #tpu.memory_space<vmem_shared>>) target(%dma_start3A_49 : memref<16x128xf32, #tpu.memory_space<hbm>>) target_semaphore(%run_scoped3A : memref<!tpu.dma_semaphore, #tpu.memory_space<semaphore_mem>>)
        %dma_wait3A = arith.constant 0 : i32
        %dma_wait3A_53 = tpu.memref_slice %arg6[%add3A_47, %dma_wait3A] : memref<20000x128xf32, #tpu.memory_space<hbm>> -> memref<16x128xf32, #tpu.memory_space<hbm>>
        %dma_wait3A_54 = arith.constant 9984 : i32
        %dma_wait3A_55 = arith.constant 0 : i32
        %dma_wait3A_56 = tpu.memref_slice %arg12[%dma_wait3A_54, %dma_wait3A_55] : memref<10056x128xf32, #tpu.memory_space<vmem_shared>> -> memref<16x128xf32, #tpu.memory_space<vmem_shared>>
        tpu.wait_dma2 semaphore(%run_scoped3A : memref<!tpu.dma_semaphore, #tpu.memory_space<semaphore_mem>>) src(%dma_wait3A_56 : memref<16x128xf32, #tpu.memory_space<vmem_shared>>) dst(%dma_wait3A_53 : memref<16x128xf32, #tpu.memory_space<hbm>>)
        tpu.yield
      }) : () -> ()
    } else {
    }
    return
  }
}

#map = affine_map<(d0, d1) -> (0, 0)>
#map1 = affine_map<(d0, d1) -> (0)>
module attributes {stable_mosaic.version = 14 : i64} {
  func.func @segsum_kernel(%arg0: i32, %arg1: i32, %arg2: memref<10000x128xf32, #tpu.memory_space<hbm>>, %arg3: memref<329728xi32, #tpu.memory_space<hbm>>, %arg4: memref<329728xi32, #tpu.memory_space<hbm>>, %arg5: memref<10056x128xf32, #tpu.memory_space<hbm>>, %arg6: memref<20000x128xf32, #tpu.memory_space<hbm>>, %arg7: memref<368xi32, #tpu.memory_space<vmem>>, %arg8: memref<368xi32, #tpu.memory_space<vmem>>, %arg9: memref<368xi32, #tpu.memory_space<vmem>>, %arg10: memref<368xi32, #tpu.memory_space<vmem>>, %arg11: memref<368x128xf32, #tpu.memory_space<vmem>>, %arg12: memref<10056x128xf32, #tpu.memory_space<vmem_shared>>, %arg13: memref<!tpu.dma_semaphore, #tpu.memory_space<semaphore_mem>>, %arg14: memref<!tpu.dma_semaphore, #tpu.memory_space<semaphore_mem>>, %arg15: memref<!tpu.dma_semaphore, #tpu.memory_space<semaphore_mem>>) attributes {dimension_semantics = [#tpu.dimension_semantics<core_parallel>, #tpu.dimension_semantics<subcore_parallel>], iteration_bounds = array<i64: 2, 16>, scalar_prefetch = 0 : i64, scratch_operands = 9 : i64, tpu.core_type = #tpu.core_type<sc_vector_subcore>, window_params = [{transform_indices = #map}, {transform_indices = #map1}, {transform_indices = #map1}, {transform_indices = #map}, {transform_indices = #map}]} {
    %mul3A = arith.constant 16 : i32
    %mul3A_0 = arith.muli %arg0, %mul3A : i32
    %add3A = arith.addi %mul3A_0, %arg1 : i32
    %mul3A_1 = arith.constant 10304 : i32
    %mul3A_2 = arith.muli %add3A, %mul3A_1 : i32
    %mul3A_3 = arith.constant 16 : i32
    %mul3A_4 = arith.muli %arg0, %mul3A_3 : i32
    %add3A_5 = arith.addi %mul3A_4, %arg1 : i32
    %mul3A_6 = arith.constant 10304 : i32
    %mul3A_7 = arith.muli %add3A_5, %mul3A_6 : i32
    %add3A_8 = arith.constant 0 : i32
    %add3A_9 = arith.addi %mul3A_2, %add3A_8 : i32
    %dma_start3A = tpu.memref_slice %arg3[%add3A_9] : memref<329728xi32, #tpu.memory_space<hbm>> -> memref<368xi32, #tpu.memory_space<hbm>>
    %dma_start3A_10 = tpu.memref_slice %arg3[%add3A_9] : memref<329728xi32, #tpu.memory_space<hbm>> -> memref<368xi32, #tpu.memory_space<hbm>>
    tpu.enqueue_dma source(%dma_start3A_10 : memref<368xi32, #tpu.memory_space<hbm>>) target(%arg7 : memref<368xi32, #tpu.memory_space<vmem>>) target_semaphore(%arg13 : memref<!tpu.dma_semaphore, #tpu.memory_space<semaphore_mem>>)
    %add3A_11 = arith.constant 0 : i32
    %add3A_12 = arith.addi %mul3A_7, %add3A_11 : i32
    %dma_start3A_13 = tpu.memref_slice %arg4[%add3A_12] : memref<329728xi32, #tpu.memory_space<hbm>> -> memref<368xi32, #tpu.memory_space<hbm>>
    %dma_start3A_14 = tpu.memref_slice %arg4[%add3A_12] : memref<329728xi32, #tpu.memory_space<hbm>> -> memref<368xi32, #tpu.memory_space<hbm>>
    tpu.enqueue_dma source(%dma_start3A_14 : memref<368xi32, #tpu.memory_space<hbm>>) target(%arg8 : memref<368xi32, #tpu.memory_space<vmem>>) target_semaphore(%arg13 : memref<!tpu.dma_semaphore, #tpu.memory_space<semaphore_mem>>)
    %add3A_15 = arith.constant 368 : i32
    %add3A_16 = arith.addi %mul3A_2, %add3A_15 : i32
    %dma_start3A_17 = tpu.memref_slice %arg3[%add3A_16] : memref<329728xi32, #tpu.memory_space<hbm>> -> memref<368xi32, #tpu.memory_space<hbm>>
    %dma_start3A_18 = tpu.memref_slice %arg3[%add3A_16] : memref<329728xi32, #tpu.memory_space<hbm>> -> memref<368xi32, #tpu.memory_space<hbm>>
    tpu.enqueue_dma source(%dma_start3A_18 : memref<368xi32, #tpu.memory_space<hbm>>) target(%arg9 : memref<368xi32, #tpu.memory_space<vmem>>) target_semaphore(%arg14 : memref<!tpu.dma_semaphore, #tpu.memory_space<semaphore_mem>>)
    %add3A_19 = arith.constant 368 : i32
    %add3A_20 = arith.addi %mul3A_7, %add3A_19 : i32
    %dma_start3A_21 = tpu.memref_slice %arg4[%add3A_20] : memref<329728xi32, #tpu.memory_space<hbm>> -> memref<368xi32, #tpu.memory_space<hbm>>
    %dma_start3A_22 = tpu.memref_slice %arg4[%add3A_20] : memref<329728xi32, #tpu.memory_space<hbm>> -> memref<368xi32, #tpu.memory_space<hbm>>
    tpu.enqueue_dma source(%dma_start3A_22 : memref<368xi32, #tpu.memory_space<hbm>>) target(%arg10 : memref<368xi32, #tpu.memory_space<vmem>>) target_semaphore(%arg14 : memref<!tpu.dma_semaphore, #tpu.memory_space<semaphore_mem>>)
    %mul3A_23 = arith.constant 624 : i32
    %mul3A_24 = arith.muli %arg1, %mul3A_23 : i32
    "tpu.region"() ({
      %run_scoped3A = tpu.sem_alloc : memref<!tpu.dma_semaphore, #tpu.memory_space<semaphore_mem>>
      %dma_start3A_44 = arith.constant 0 : i32
      %dma_start3A_45 = tpu.memref_slice %arg12[%mul3A_24, %dma_start3A_44] : memref<10056x128xf32, #tpu.memory_space<vmem_shared>> -> memref<624x128xf32, #tpu.memory_space<vmem_shared>>
      %dma_start3A_46 = arith.constant 0 : i32
      %dma_start3A_47 = tpu.memref_slice %arg5[%mul3A_24, %dma_start3A_46] : memref<10056x128xf32, #tpu.memory_space<hbm>> -> memref<624x128xf32, #tpu.memory_space<hbm>>
      tpu.enqueue_dma source(%dma_start3A_47 : memref<624x128xf32, #tpu.memory_space<hbm>>) target(%dma_start3A_45 : memref<624x128xf32, #tpu.memory_space<vmem_shared>>) target_semaphore(%run_scoped3A : memref<!tpu.dma_semaphore, #tpu.memory_space<semaphore_mem>>)
      %dma_wait3A = arith.constant 0 : i32
      %dma_wait3A_48 = tpu.memref_slice %arg12[%mul3A_24, %dma_wait3A] : memref<10056x128xf32, #tpu.memory_space<vmem_shared>> -> memref<624x128xf32, #tpu.memory_space<vmem_shared>>
      %dma_wait3A_49 = arith.constant 0 : i32
      %dma_wait3A_50 = tpu.memref_slice %arg5[%mul3A_24, %dma_wait3A_49] : memref<10056x128xf32, #tpu.memory_space<hbm>> -> memref<624x128xf32, #tpu.memory_space<hbm>>
      tpu.wait_dma2 semaphore(%run_scoped3A : memref<!tpu.dma_semaphore, #tpu.memory_space<semaphore_mem>>) src(%dma_wait3A_50 : memref<624x128xf32, #tpu.memory_space<hbm>>) dst(%dma_wait3A_48 : memref<624x128xf32, #tpu.memory_space<vmem_shared>>)
      tpu.yield
    }) : () -> ()
    %eq3A = arith.constant 15 : i32
    %eq3A_25 = arith.cmpi eq, %arg1, %eq3A : i32
    %convert_element_type3A = arith.extui %eq3A_25 : i1 to i32
    %cond3A = arith.constant 0 : i32
    %cond3A_26 = arith.cmpi ne, %convert_element_type3A, %cond3A : i32
    scf.if %cond3A_26 {
      "tpu.region"() ({
        %run_scoped3A = tpu.sem_alloc : memref<!tpu.dma_semaphore, #tpu.memory_space<semaphore_mem>>
        %dma_start3A_44 = arith.constant 9984 : i32
        %dma_start3A_45 = arith.constant 0 : i32
        %dma_start3A_46 = tpu.memref_slice %arg12[%dma_start3A_44, %dma_start3A_45] : memref<10056x128xf32, #tpu.memory_space<vmem_shared>> -> memref<72x128xf32, #tpu.memory_space<vmem_shared>>
        %dma_start3A_47 = arith.constant 9984 : i32
        %dma_start3A_48 = arith.constant 0 : i32
        %dma_start3A_49 = tpu.memref_slice %arg5[%dma_start3A_47, %dma_start3A_48] : memref<10056x128xf32, #tpu.memory_space<hbm>> -> memref<72x128xf32, #tpu.memory_space<hbm>>
        tpu.enqueue_dma source(%dma_start3A_49 : memref<72x128xf32, #tpu.memory_space<hbm>>) target(%dma_start3A_46 : memref<72x128xf32, #tpu.memory_space<vmem_shared>>) target_semaphore(%run_scoped3A : memref<!tpu.dma_semaphore, #tpu.memory_space<semaphore_mem>>)
        %dma_wait3A = arith.constant 9984 : i32
        %dma_wait3A_50 = arith.constant 0 : i32
        %dma_wait3A_51 = tpu.memref_slice %arg12[%dma_wait3A, %dma_wait3A_50] : memref<10056x128xf32, #tpu.memory_space<vmem_shared>> -> memref<72x128xf32, #tpu.memory_space<vmem_shared>>
        %dma_wait3A_52 = arith.constant 9984 : i32
        %dma_wait3A_53 = arith.constant 0 : i32
        %dma_wait3A_54 = tpu.memref_slice %arg5[%dma_wait3A_52, %dma_wait3A_53] : memref<10056x128xf32, #tpu.memory_space<hbm>> -> memref<72x128xf32, #tpu.memory_space<hbm>>
        tpu.wait_dma2 semaphore(%run_scoped3A : memref<!tpu.dma_semaphore, #tpu.memory_space<semaphore_mem>>) src(%dma_wait3A_54 : memref<72x128xf32, #tpu.memory_space<hbm>>) dst(%dma_wait3A_51 : memref<72x128xf32, #tpu.memory_space<vmem_shared>>)
        tpu.yield
      }) : () -> ()
    } else {
    }
    %barrier3A = arith.constant 0 : index
    tpu.barrier barrier_id(%barrier3A)
    %scan3A = arith.constant 0 : i32
    %scan3A_27 = arith.constant 0 : i32
    %scan3A_28 = arith.constant 14 : i32
    %scan3A_29 = arith.addi %scan3A_27, %scan3A_28 : i32
    %scan3A_30 = arith.constant 1 : i32
    %scan3A_31 = scf.for %scan3A_44 = %scan3A_27 to %scan3A_29 step %scan3A_30 iter_args(%scan3A_45 = %scan3A) -> (i32)  : i32 {
      %mul3A_46 = arith.constant 2 : i32
      %mul3A_47 = arith.muli %mul3A_46, %scan3A_44 : i32
      %mul3A_48 = arith.constant 368 : i32
      %mul3A_49 = arith.muli %mul3A_47, %mul3A_48 : i32
      %add3A_50 = arith.addi %mul3A_2, %mul3A_49 : i32
      %dma_wait3A = tpu.memref_slice %arg3[%add3A_50] : memref<329728xi32, #tpu.memory_space<hbm>> -> memref<368xi32, #tpu.memory_space<hbm>>
      %dma_wait3A_51 = tpu.memref_slice %arg3[%add3A_50] : memref<329728xi32, #tpu.memory_space<hbm>> -> memref<368xi32, #tpu.memory_space<hbm>>
      tpu.wait_dma2 semaphore(%arg13 : memref<!tpu.dma_semaphore, #tpu.memory_space<semaphore_mem>>) src(%dma_wait3A_51 : memref<368xi32, #tpu.memory_space<hbm>>) dst(%arg7 : memref<368xi32, #tpu.memory_space<vmem>>)
      %mul3A_52 = arith.constant 368 : i32
      %mul3A_53 = arith.muli %mul3A_47, %mul3A_52 : i32
      %add3A_54 = arith.addi %mul3A_7, %mul3A_53 : i32
      %dma_wait3A_55 = tpu.memref_slice %arg4[%add3A_54] : memref<329728xi32, #tpu.memory_space<hbm>> -> memref<368xi32, #tpu.memory_space<hbm>>
      %dma_wait3A_56 = tpu.memref_slice %arg4[%add3A_54] : memref<329728xi32, #tpu.memory_space<hbm>> -> memref<368xi32, #tpu.memory_space<hbm>>
      tpu.wait_dma2 semaphore(%arg13 : memref<!tpu.dma_semaphore, #tpu.memory_space<semaphore_mem>>) src(%dma_wait3A_56 : memref<368xi32, #tpu.memory_space<hbm>>) dst(%arg8 : memref<368xi32, #tpu.memory_space<vmem>>)
      %dma_start3A_57 = arith.constant 0 : i32
      %dma_start3A_58 = arith.constant 0 : i32
      %dma_start3A_59 = tpu.memref_slice %arg2[%dma_start3A_57, %dma_start3A_58] : memref<10000x128xf32, #tpu.memory_space<hbm>> -> memref<10000x128xf32, #tpu.memory_space<hbm>>
      tpu.enqueue_indirect_dma source(%dma_start3A_59 : memref<10000x128xf32, #tpu.memory_space<hbm>>) target(%arg11 : memref<368x128xf32, #tpu.memory_space<vmem>>) offsets(%arg7 : memref<368xi32, #tpu.memory_space<vmem>>) semaphore(%arg15 : memref<!tpu.dma_semaphore, #tpu.memory_space<semaphore_mem>>)
      %dma_wait3A_60 = arith.constant 0 : i32
      %dma_wait3A_61 = arith.constant 0 : i32
      %dma_wait3A_62 = tpu.memref_slice %arg2[%dma_wait3A_60, %dma_wait3A_61] : memref<10000x128xf32, #tpu.memory_space<hbm>> -> memref<10000x128xf32, #tpu.memory_space<hbm>>
      tpu.wait_indirect_dma semaphore(%arg15 : memref<!tpu.dma_semaphore, #tpu.memory_space<semaphore_mem>>) src(%dma_wait3A_62 : memref<10000x128xf32, #tpu.memory_space<hbm>>) dst(%arg11 : memref<368x128xf32, #tpu.memory_space<vmem>>)
      "tpu.region"() ({
        %run_scoped3A = tpu.sem_alloc : memref<!tpu.dma_semaphore, #tpu.memory_space<semaphore_mem>>
        %dma_start3A_97 = arith.constant 0 : i32
        %dma_start3A_98 = arith.constant 0 : i32
        %dma_start3A_99 = tpu.memref_slice %arg12[%dma_start3A_97, %dma_start3A_98] : memref<10056x128xf32, #tpu.memory_space<vmem_shared>> -> memref<10056x128xf32, #tpu.memory_space<vmem_shared>>
        tpu.enqueue_indirect_dma source(%arg11 : memref<368x128xf32, #tpu.memory_space<vmem>>) target(%dma_start3A_99 : memref<10056x128xf32, #tpu.memory_space<vmem_shared>>) offsets(%arg8 : memref<368xi32, #tpu.memory_space<vmem>>) semaphore(%run_scoped3A : memref<!tpu.dma_semaphore, #tpu.memory_space<semaphore_mem>>) {add = true}
        %dma_wait3A_100 = arith.constant 0 : i32
        %dma_wait3A_101 = arith.constant 0 : i32
        %dma_wait3A_102 = tpu.memref_slice %arg12[%dma_wait3A_100, %dma_wait3A_101] : memref<10056x128xf32, #tpu.memory_space<vmem_shared>> -> memref<10056x128xf32, #tpu.memory_space<vmem_shared>>
        tpu.wait_indirect_dma semaphore(%run_scoped3A : memref<!tpu.dma_semaphore, #tpu.memory_space<semaphore_mem>>) src(%arg11 : memref<368x128xf32, #tpu.memory_space<vmem>>) dst(%dma_wait3A_102 : memref<10056x128xf32, #tpu.memory_space<vmem_shared>>)
        tpu.yield
      }) : () -> ()
      %add3A_63 = arith.constant 2 : i32
      %add3A_64 = arith.addi %mul3A_47, %add3A_63 : i32
      %lt3A = arith.constant 28 : i32
      %lt3A_65 = arith.cmpi slt, %add3A_64, %lt3A : i32
      %convert_element_type3A_66 = arith.extui %lt3A_65 : i1 to i32
      %cond3A_67 = arith.constant 0 : i32
      %cond3A_68 = arith.cmpi ne, %convert_element_type3A_66, %cond3A_67 : i32
      scf.if %cond3A_68 {
        %add3A_97 = arith.constant 2 : i32
        %add3A_98 = arith.addi %mul3A_47, %add3A_97 : i32
        %mul3A_99 = arith.constant 368 : i32
        %mul3A_100 = arith.muli %add3A_98, %mul3A_99 : i32
        %add3A_101 = arith.addi %mul3A_2, %mul3A_100 : i32
        %dma_start3A_102 = tpu.memref_slice %arg3[%add3A_101] : memref<329728xi32, #tpu.memory_space<hbm>> -> memref<368xi32, #tpu.memory_space<hbm>>
        %dma_start3A_103 = tpu.memref_slice %arg3[%add3A_101] : memref<329728xi32, #tpu.memory_space<hbm>> -> memref<368xi32, #tpu.memory_space<hbm>>
        tpu.enqueue_dma source(%dma_start3A_103 : memref<368xi32, #tpu.memory_space<hbm>>) target(%arg7 : memref<368xi32, #tpu.memory_space<vmem>>) target_semaphore(%arg13 : memref<!tpu.dma_semaphore, #tpu.memory_space<semaphore_mem>>)
        %mul3A_104 = arith.constant 368 : i32
        %mul3A_105 = arith.muli %add3A_98, %mul3A_104 : i32
        %add3A_106 = arith.addi %mul3A_7, %mul3A_105 : i32
        %dma_start3A_107 = tpu.memref_slice %arg4[%add3A_106] : memref<329728xi32, #tpu.memory_space<hbm>> -> memref<368xi32, #tpu.memory_space<hbm>>
        %dma_start3A_108 = tpu.memref_slice %arg4[%add3A_106] : memref<329728xi32, #tpu.memory_space<hbm>> -> memref<368xi32, #tpu.memory_space<hbm>>
        tpu.enqueue_dma source(%dma_start3A_108 : memref<368xi32, #tpu.memory_space<hbm>>) target(%arg8 : memref<368xi32, #tpu.memory_space<vmem>>) target_semaphore(%arg13 : memref<!tpu.dma_semaphore, #tpu.memory_space<semaphore_mem>>)
      } else {
      }
      %mul3A_69 = arith.constant 2 : i32
      %mul3A_70 = arith.muli %mul3A_69, %scan3A_44 : i32
      %add3A_71 = arith.constant 1 : i32
      %add3A_72 = arith.addi %mul3A_70, %add3A_71 : i32
      %mul3A_73 = arith.constant 368 : i32
      %mul3A_74 = arith.muli %add3A_72, %mul3A_73 : i32
      %add3A_75 = arith.addi %mul3A_2, %mul3A_74 : i32
      %dma_wait3A_76 = tpu.memref_slice %arg3[%add3A_75] : memref<329728xi32, #tpu.memory_space<hbm>> -> memref<368xi32, #tpu.memory_space<hbm>>
      %dma_wait3A_77 = tpu.memref_slice %arg3[%add3A_75] : memref<329728xi32, #tpu.memory_space<hbm>> -> memref<368xi32, #tpu.memory_space<hbm>>
      tpu.wait_dma2 semaphore(%arg14 : memref<!tpu.dma_semaphore, #tpu.memory_space<semaphore_mem>>) src(%dma_wait3A_77 : memref<368xi32, #tpu.memory_space<hbm>>) dst(%arg9 : memref<368xi32, #tpu.memory_space<vmem>>)
      %mul3A_78 = arith.constant 368 : i32
      %mul3A_79 = arith.muli %add3A_72, %mul3A_78 : i32
      %add3A_80 = arith.addi %mul3A_7, %mul3A_79 : i32
      %dma_wait3A_81 = tpu.memref_slice %arg4[%add3A_80] : memref<329728xi32, #tpu.memory_space<hbm>> -> memref<368xi32, #tpu.memory_space<hbm>>
      %dma_wait3A_82 = tpu.memref_slice %arg4[%add3A_80] : memref<329728xi32, #tpu.memory_space<hbm>> -> memref<368xi32, #tpu.memory_space<hbm>>
      tpu.wait_dma2 semaphore(%arg14 : memref<!tpu.dma_semaphore, #tpu.memory_space<semaphore_mem>>) src(%dma_wait3A_82 : memref<368xi32, #tpu.memory_space<hbm>>) dst(%arg10 : memref<368xi32, #tpu.memory_space<vmem>>)
      %dma_start3A_83 = arith.constant 0 : i32
      %dma_start3A_84 = arith.constant 0 : i32
      %dma_start3A_85 = tpu.memref_slice %arg2[%dma_start3A_83, %dma_start3A_84] : memref<10000x128xf32, #tpu.memory_space<hbm>> -> memref<10000x128xf32, #tpu.memory_space<hbm>>
      tpu.enqueue_indirect_dma source(%dma_start3A_85 : memref<10000x128xf32, #tpu.memory_space<hbm>>) target(%arg11 : memref<368x128xf32, #tpu.memory_space<vmem>>) offsets(%arg9 : memref<368xi32, #tpu.memory_space<vmem>>) semaphore(%arg15 : memref<!tpu.dma_semaphore, #tpu.memory_space<semaphore_mem>>)
      %dma_wait3A_86 = arith.constant 0 : i32
      %dma_wait3A_87 = arith.constant 0 : i32
      %dma_wait3A_88 = tpu.memref_slice %arg2[%dma_wait3A_86, %dma_wait3A_87] : memref<10000x128xf32, #tpu.memory_space<hbm>> -> memref<10000x128xf32, #tpu.memory_space<hbm>>
      tpu.wait_indirect_dma semaphore(%arg15 : memref<!tpu.dma_semaphore, #tpu.memory_space<semaphore_mem>>) src(%dma_wait3A_88 : memref<10000x128xf32, #tpu.memory_space<hbm>>) dst(%arg11 : memref<368x128xf32, #tpu.memory_space<vmem>>)
      "tpu.region"() ({
        %run_scoped3A = tpu.sem_alloc : memref<!tpu.dma_semaphore, #tpu.memory_space<semaphore_mem>>
        %dma_start3A_97 = arith.constant 0 : i32
        %dma_start3A_98 = arith.constant 0 : i32
        %dma_start3A_99 = tpu.memref_slice %arg12[%dma_start3A_97, %dma_start3A_98] : memref<10056x128xf32, #tpu.memory_space<vmem_shared>> -> memref<10056x128xf32, #tpu.memory_space<vmem_shared>>
        tpu.enqueue_indirect_dma source(%arg11 : memref<368x128xf32, #tpu.memory_space<vmem>>) target(%dma_start3A_99 : memref<10056x128xf32, #tpu.memory_space<vmem_shared>>) offsets(%arg10 : memref<368xi32, #tpu.memory_space<vmem>>) semaphore(%run_scoped3A : memref<!tpu.dma_semaphore, #tpu.memory_space<semaphore_mem>>) {add = true}
        %dma_wait3A_100 = arith.constant 0 : i32
        %dma_wait3A_101 = arith.constant 0 : i32
        %dma_wait3A_102 = tpu.memref_slice %arg12[%dma_wait3A_100, %dma_wait3A_101] : memref<10056x128xf32, #tpu.memory_space<vmem_shared>> -> memref<10056x128xf32, #tpu.memory_space<vmem_shared>>
        tpu.wait_indirect_dma semaphore(%run_scoped3A : memref<!tpu.dma_semaphore, #tpu.memory_space<semaphore_mem>>) src(%arg11 : memref<368x128xf32, #tpu.memory_space<vmem>>) dst(%dma_wait3A_102 : memref<10056x128xf32, #tpu.memory_space<vmem_shared>>)
        tpu.yield
      }) : () -> ()
      %add3A_89 = arith.constant 2 : i32
      %add3A_90 = arith.addi %add3A_72, %add3A_89 : i32
      %lt3A_91 = arith.constant 28 : i32
      %lt3A_92 = arith.cmpi slt, %add3A_90, %lt3A_91 : i32
      %convert_element_type3A_93 = arith.extui %lt3A_92 : i1 to i32
      %cond3A_94 = arith.constant 0 : i32
      %cond3A_95 = arith.cmpi ne, %convert_element_type3A_93, %cond3A_94 : i32
      scf.if %cond3A_95 {
        %add3A_97 = arith.constant 2 : i32
        %add3A_98 = arith.addi %add3A_72, %add3A_97 : i32
        %mul3A_99 = arith.constant 368 : i32
        %mul3A_100 = arith.muli %add3A_98, %mul3A_99 : i32
        %add3A_101 = arith.addi %mul3A_2, %mul3A_100 : i32
        %dma_start3A_102 = tpu.memref_slice %arg3[%add3A_101] : memref<329728xi32, #tpu.memory_space<hbm>> -> memref<368xi32, #tpu.memory_space<hbm>>
        %dma_start3A_103 = tpu.memref_slice %arg3[%add3A_101] : memref<329728xi32, #tpu.memory_space<hbm>> -> memref<368xi32, #tpu.memory_space<hbm>>
        tpu.enqueue_dma source(%dma_start3A_103 : memref<368xi32, #tpu.memory_space<hbm>>) target(%arg9 : memref<368xi32, #tpu.memory_space<vmem>>) target_semaphore(%arg14 : memref<!tpu.dma_semaphore, #tpu.memory_space<semaphore_mem>>)
        %mul3A_104 = arith.constant 368 : i32
        %mul3A_105 = arith.muli %add3A_98, %mul3A_104 : i32
        %add3A_106 = arith.addi %mul3A_7, %mul3A_105 : i32
        %dma_start3A_107 = tpu.memref_slice %arg4[%add3A_106] : memref<329728xi32, #tpu.memory_space<hbm>> -> memref<368xi32, #tpu.memory_space<hbm>>
        %dma_start3A_108 = tpu.memref_slice %arg4[%add3A_106] : memref<329728xi32, #tpu.memory_space<hbm>> -> memref<368xi32, #tpu.memory_space<hbm>>
        tpu.enqueue_dma source(%dma_start3A_108 : memref<368xi32, #tpu.memory_space<hbm>>) target(%arg10 : memref<368xi32, #tpu.memory_space<vmem>>) target_semaphore(%arg14 : memref<!tpu.dma_semaphore, #tpu.memory_space<semaphore_mem>>)
      } else {
      }
      %scan3A_96 = arith.constant 0 : i32
      scf.yield %scan3A_96 : i32
    }
    %scan3A_32 = arith.constant 14 : i32
    %barrier3A_33 = arith.constant 0 : index
    tpu.barrier barrier_id(%barrier3A_33)
    %mul3A_34 = arith.constant 624 : i32
    %mul3A_35 = arith.muli %arg1, %mul3A_34 : i32
    %mul3A_36 = arith.constant 10000 : i32
    %mul3A_37 = arith.muli %arg0, %mul3A_36 : i32
    %add3A_38 = arith.addi %mul3A_37, %mul3A_35 : i32
    "tpu.region"() ({
      %run_scoped3A = tpu.sem_alloc : memref<!tpu.dma_semaphore, #tpu.memory_space<semaphore_mem>>
      %dma_start3A_44 = arith.constant 0 : i32
      %dma_start3A_45 = tpu.memref_slice %arg6[%add3A_38, %dma_start3A_44] : memref<20000x128xf32, #tpu.memory_space<hbm>> -> memref<624x128xf32, #tpu.memory_space<hbm>>
      %dma_start3A_46 = arith.constant 0 : i32
      %dma_start3A_47 = tpu.memref_slice %arg12[%mul3A_35, %dma_start3A_46] : memref<10056x128xf32, #tpu.memory_space<vmem_shared>> -> memref<624x128xf32, #tpu.memory_space<vmem_shared>>
      tpu.enqueue_dma source(%dma_start3A_47 : memref<624x128xf32, #tpu.memory_space<vmem_shared>>) target(%dma_start3A_45 : memref<624x128xf32, #tpu.memory_space<hbm>>) target_semaphore(%run_scoped3A : memref<!tpu.dma_semaphore, #tpu.memory_space<semaphore_mem>>)
      %dma_wait3A = arith.constant 0 : i32
      %dma_wait3A_48 = tpu.memref_slice %arg6[%add3A_38, %dma_wait3A] : memref<20000x128xf32, #tpu.memory_space<hbm>> -> memref<624x128xf32, #tpu.memory_space<hbm>>
      %dma_wait3A_49 = arith.constant 0 : i32
      %dma_wait3A_50 = tpu.memref_slice %arg12[%mul3A_35, %dma_wait3A_49] : memref<10056x128xf32, #tpu.memory_space<vmem_shared>> -> memref<624x128xf32, #tpu.memory_space<vmem_shared>>
      tpu.wait_dma2 semaphore(%run_scoped3A : memref<!tpu.dma_semaphore, #tpu.memory_space<semaphore_mem>>) src(%dma_wait3A_50 : memref<624x128xf32, #tpu.memory_space<vmem_shared>>) dst(%dma_wait3A_48 : memref<624x128xf32, #tpu.memory_space<hbm>>)
      tpu.yield
    }) : () -> ()
    %eq3A_39 = arith.constant 15 : i32
    %eq3A_40 = arith.cmpi eq, %arg1, %eq3A_39 : i32
    %convert_element_type3A_41 = arith.extui %eq3A_40 : i1 to i32
    %cond3A_42 = arith.constant 0 : i32
    %cond3A_43 = arith.cmpi ne, %convert_element_type3A_41, %cond3A_42 : i32
    scf.if %cond3A_43 {
      %mul3A_44 = arith.constant 10000 : i32
      %mul3A_45 = arith.muli %arg0, %mul3A_44 : i32
      %add3A_46 = arith.constant 9984 : i32
      %add3A_47 = arith.addi %mul3A_45, %add3A_46 : i32
      "tpu.region"() ({
        %run_scoped3A = tpu.sem_alloc : memref<!tpu.dma_semaphore, #tpu.memory_space<semaphore_mem>>
        %dma_start3A_48 = arith.constant 0 : i32
        %dma_start3A_49 = tpu.memref_slice %arg6[%add3A_47, %dma_start3A_48] : memref<20000x128xf32, #tpu.memory_space<hbm>> -> memref<16x128xf32, #tpu.memory_space<hbm>>
        %dma_start3A_50 = arith.constant 9984 : i32
        %dma_start3A_51 = arith.constant 0 : i32
        %dma_start3A_52 = tpu.memref_slice %arg12[%dma_start3A_50, %dma_start3A_51] : memref<10056x128xf32, #tpu.memory_space<vmem_shared>> -> memref<16x128xf32, #tpu.memory_space<vmem_shared>>
        tpu.enqueue_dma source(%dma_start3A_52 : memref<16x128xf32, #tpu.memory_space<vmem_shared>>) target(%dma_start3A_49 : memref<16x128xf32, #tpu.memory_space<hbm>>) target_semaphore(%run_scoped3A : memref<!tpu.dma_semaphore, #tpu.memory_space<semaphore_mem>>)
        %dma_wait3A = arith.constant 0 : i32
        %dma_wait3A_53 = tpu.memref_slice %arg6[%add3A_47, %dma_wait3A] : memref<20000x128xf32, #tpu.memory_space<hbm>> -> memref<16x128xf32, #tpu.memory_space<hbm>>
        %dma_wait3A_54 = arith.constant 9984 : i32
        %dma_wait3A_55 = arith.constant 0 : i32
        %dma_wait3A_56 = tpu.memref_slice %arg12[%dma_wait3A_54, %dma_wait3A_55] : memref<10056x128xf32, #tpu.memory_space<vmem_shared>> -> memref<16x128xf32, #tpu.memory_space<vmem_shared>>
        tpu.wait_dma2 semaphore(%run_scoped3A : memref<!tpu.dma_semaphore, #tpu.memory_space<semaphore_mem>>) src(%dma_wait3A_56 : memref<16x128xf32, #tpu.memory_space<vmem_shared>>) dst(%dma_wait3A_53 : memref<16x128xf32, #tpu.memory_space<hbm>>)
        tpu.yield
      }) : () -> ()
    } else {
    }
    return
  }
}

#map = affine_map<(d0, d1) -> (0, 0)>
#map1 = affine_map<(d0, d1) -> (0)>
module attributes {stable_mosaic.version = 14 : i64} {
  func.func @segsum_kernel(%arg0: i32, %arg1: i32, %arg2: memref<20000x128xf32, #tpu.memory_space<hbm>>, %arg3: memref<647680xi32, #tpu.memory_space<hbm>>, %arg4: memref<323840xi32, #tpu.memory_space<hbm>>, %arg5: memref<10056x128xf32, #tpu.memory_space<hbm>>, %arg6: memref<20000x128xf32, #tpu.memory_space<hbm>>, %arg7: memref<368xi32, #tpu.memory_space<vmem>>, %arg8: memref<368xi32, #tpu.memory_space<vmem>>, %arg9: memref<368xi32, #tpu.memory_space<vmem>>, %arg10: memref<368xi32, #tpu.memory_space<vmem>>, %arg11: memref<368x128xf32, #tpu.memory_space<vmem>>, %arg12: memref<10056x128xf32, #tpu.memory_space<vmem_shared>>, %arg13: memref<!tpu.dma_semaphore, #tpu.memory_space<semaphore_mem>>, %arg14: memref<!tpu.dma_semaphore, #tpu.memory_space<semaphore_mem>>, %arg15: memref<!tpu.dma_semaphore, #tpu.memory_space<semaphore_mem>>) attributes {dimension_semantics = [#tpu.dimension_semantics<core_parallel>, #tpu.dimension_semantics<subcore_parallel>], iteration_bounds = array<i64: 2, 16>, scalar_prefetch = 0 : i64, scratch_operands = 9 : i64, tpu.core_type = #tpu.core_type<sc_vector_subcore>, window_params = [{transform_indices = #map}, {transform_indices = #map1}, {transform_indices = #map1}, {transform_indices = #map}, {transform_indices = #map}]} {
    %mul3A = arith.constant 16 : i32
    %mul3A_0 = arith.muli %arg0, %mul3A : i32
    %add3A = arith.addi %mul3A_0, %arg1 : i32
    %mul3A_1 = arith.constant 20240 : i32
    %mul3A_2 = arith.muli %add3A, %mul3A_1 : i32
    %mul3A_3 = arith.constant 20240 : i32
    %mul3A_4 = arith.muli %arg1, %mul3A_3 : i32
    %add3A_5 = arith.constant 0 : i32
    %add3A_6 = arith.addi %mul3A_2, %add3A_5 : i32
    %dma_start3A = tpu.memref_slice %arg3[%add3A_6] : memref<647680xi32, #tpu.memory_space<hbm>> -> memref<368xi32, #tpu.memory_space<hbm>>
    %dma_start3A_7 = tpu.memref_slice %arg3[%add3A_6] : memref<647680xi32, #tpu.memory_space<hbm>> -> memref<368xi32, #tpu.memory_space<hbm>>
    tpu.enqueue_dma source(%dma_start3A_7 : memref<368xi32, #tpu.memory_space<hbm>>) target(%arg7 : memref<368xi32, #tpu.memory_space<vmem>>) target_semaphore(%arg13 : memref<!tpu.dma_semaphore, #tpu.memory_space<semaphore_mem>>)
    %add3A_8 = arith.constant 0 : i32
    %add3A_9 = arith.addi %mul3A_4, %add3A_8 : i32
    %dma_start3A_10 = tpu.memref_slice %arg4[%add3A_9] : memref<323840xi32, #tpu.memory_space<hbm>> -> memref<368xi32, #tpu.memory_space<hbm>>
    %dma_start3A_11 = tpu.memref_slice %arg4[%add3A_9] : memref<323840xi32, #tpu.memory_space<hbm>> -> memref<368xi32, #tpu.memory_space<hbm>>
    tpu.enqueue_dma source(%dma_start3A_11 : memref<368xi32, #tpu.memory_space<hbm>>) target(%arg8 : memref<368xi32, #tpu.memory_space<vmem>>) target_semaphore(%arg13 : memref<!tpu.dma_semaphore, #tpu.memory_space<semaphore_mem>>)
    %add3A_12 = arith.constant 368 : i32
    %add3A_13 = arith.addi %mul3A_2, %add3A_12 : i32
    %dma_start3A_14 = tpu.memref_slice %arg3[%add3A_13] : memref<647680xi32, #tpu.memory_space<hbm>> -> memref<368xi32, #tpu.memory_space<hbm>>
    %dma_start3A_15 = tpu.memref_slice %arg3[%add3A_13] : memref<647680xi32, #tpu.memory_space<hbm>> -> memref<368xi32, #tpu.memory_space<hbm>>
    tpu.enqueue_dma source(%dma_start3A_15 : memref<368xi32, #tpu.memory_space<hbm>>) target(%arg9 : memref<368xi32, #tpu.memory_space<vmem>>) target_semaphore(%arg14 : memref<!tpu.dma_semaphore, #tpu.memory_space<semaphore_mem>>)
    %add3A_16 = arith.constant 368 : i32
    %add3A_17 = arith.addi %mul3A_4, %add3A_16 : i32
    %dma_start3A_18 = tpu.memref_slice %arg4[%add3A_17] : memref<323840xi32, #tpu.memory_space<hbm>> -> memref<368xi32, #tpu.memory_space<hbm>>
    %dma_start3A_19 = tpu.memref_slice %arg4[%add3A_17] : memref<323840xi32, #tpu.memory_space<hbm>> -> memref<368xi32, #tpu.memory_space<hbm>>
    tpu.enqueue_dma source(%dma_start3A_19 : memref<368xi32, #tpu.memory_space<hbm>>) target(%arg10 : memref<368xi32, #tpu.memory_space<vmem>>) target_semaphore(%arg14 : memref<!tpu.dma_semaphore, #tpu.memory_space<semaphore_mem>>)
    %mul3A_20 = arith.constant 624 : i32
    %mul3A_21 = arith.muli %arg1, %mul3A_20 : i32
    "tpu.region"() ({
      %run_scoped3A = tpu.sem_alloc : memref<!tpu.dma_semaphore, #tpu.memory_space<semaphore_mem>>
      %dma_start3A_54 = arith.constant 0 : i32
      %dma_start3A_55 = tpu.memref_slice %arg12[%mul3A_21, %dma_start3A_54] : memref<10056x128xf32, #tpu.memory_space<vmem_shared>> -> memref<624x128xf32, #tpu.memory_space<vmem_shared>>
      %dma_start3A_56 = arith.constant 0 : i32
      %dma_start3A_57 = tpu.memref_slice %arg5[%mul3A_21, %dma_start3A_56] : memref<10056x128xf32, #tpu.memory_space<hbm>> -> memref<624x128xf32, #tpu.memory_space<hbm>>
      tpu.enqueue_dma source(%dma_start3A_57 : memref<624x128xf32, #tpu.memory_space<hbm>>) target(%dma_start3A_55 : memref<624x128xf32, #tpu.memory_space<vmem_shared>>) target_semaphore(%run_scoped3A : memref<!tpu.dma_semaphore, #tpu.memory_space<semaphore_mem>>)
      %dma_wait3A_58 = arith.constant 0 : i32
      %dma_wait3A_59 = tpu.memref_slice %arg12[%mul3A_21, %dma_wait3A_58] : memref<10056x128xf32, #tpu.memory_space<vmem_shared>> -> memref<624x128xf32, #tpu.memory_space<vmem_shared>>
      %dma_wait3A_60 = arith.constant 0 : i32
      %dma_wait3A_61 = tpu.memref_slice %arg5[%mul3A_21, %dma_wait3A_60] : memref<10056x128xf32, #tpu.memory_space<hbm>> -> memref<624x128xf32, #tpu.memory_space<hbm>>
      tpu.wait_dma2 semaphore(%run_scoped3A : memref<!tpu.dma_semaphore, #tpu.memory_space<semaphore_mem>>) src(%dma_wait3A_61 : memref<624x128xf32, #tpu.memory_space<hbm>>) dst(%dma_wait3A_59 : memref<624x128xf32, #tpu.memory_space<vmem_shared>>)
      tpu.yield
    }) : () -> ()
    %eq3A = arith.constant 15 : i32
    %eq3A_22 = arith.cmpi eq, %arg1, %eq3A : i32
    %convert_element_type3A = arith.extui %eq3A_22 : i1 to i32
    %cond3A = arith.constant 0 : i32
    %cond3A_23 = arith.cmpi ne, %convert_element_type3A, %cond3A : i32
    scf.if %cond3A_23 {
      "tpu.region"() ({
        %run_scoped3A = tpu.sem_alloc : memref<!tpu.dma_semaphore, #tpu.memory_space<semaphore_mem>>
        %dma_start3A_54 = arith.constant 9984 : i32
        %dma_start3A_55 = arith.constant 0 : i32
        %dma_start3A_56 = tpu.memref_slice %arg12[%dma_start3A_54, %dma_start3A_55] : memref<10056x128xf32, #tpu.memory_space<vmem_shared>> -> memref<72x128xf32, #tpu.memory_space<vmem_shared>>
        %dma_start3A_57 = arith.constant 9984 : i32
        %dma_start3A_58 = arith.constant 0 : i32
        %dma_start3A_59 = tpu.memref_slice %arg5[%dma_start3A_57, %dma_start3A_58] : memref<10056x128xf32, #tpu.memory_space<hbm>> -> memref<72x128xf32, #tpu.memory_space<hbm>>
        tpu.enqueue_dma source(%dma_start3A_59 : memref<72x128xf32, #tpu.memory_space<hbm>>) target(%dma_start3A_56 : memref<72x128xf32, #tpu.memory_space<vmem_shared>>) target_semaphore(%run_scoped3A : memref<!tpu.dma_semaphore, #tpu.memory_space<semaphore_mem>>)
        %dma_wait3A_60 = arith.constant 9984 : i32
        %dma_wait3A_61 = arith.constant 0 : i32
        %dma_wait3A_62 = tpu.memref_slice %arg12[%dma_wait3A_60, %dma_wait3A_61] : memref<10056x128xf32, #tpu.memory_space<vmem_shared>> -> memref<72x128xf32, #tpu.memory_space<vmem_shared>>
        %dma_wait3A_63 = arith.constant 9984 : i32
        %dma_wait3A_64 = arith.constant 0 : i32
        %dma_wait3A_65 = tpu.memref_slice %arg5[%dma_wait3A_63, %dma_wait3A_64] : memref<10056x128xf32, #tpu.memory_space<hbm>> -> memref<72x128xf32, #tpu.memory_space<hbm>>
        tpu.wait_dma2 semaphore(%run_scoped3A : memref<!tpu.dma_semaphore, #tpu.memory_space<semaphore_mem>>) src(%dma_wait3A_65 : memref<72x128xf32, #tpu.memory_space<hbm>>) dst(%dma_wait3A_62 : memref<72x128xf32, #tpu.memory_space<vmem_shared>>)
        tpu.yield
      }) : () -> ()
    } else {
    }
    %barrier3A = arith.constant 0 : index
    tpu.barrier barrier_id(%barrier3A)
    %scan3A = arith.constant 0 : i32
    %scan3A_24 = arith.constant 0 : i32
    %scan3A_25 = arith.constant 27 : i32
    %scan3A_26 = arith.addi %scan3A_24, %scan3A_25 : i32
    %scan3A_27 = arith.constant 1 : i32
    %scan3A_28 = scf.for %scan3A_54 = %scan3A_24 to %scan3A_26 step %scan3A_27 iter_args(%scan3A_55 = %scan3A) -> (i32)  : i32 {
      %mul3A_56 = arith.constant 2 : i32
      %mul3A_57 = arith.muli %mul3A_56, %scan3A_54 : i32
      %mul3A_58 = arith.constant 368 : i32
      %mul3A_59 = arith.muli %mul3A_57, %mul3A_58 : i32
      %add3A_60 = arith.addi %mul3A_2, %mul3A_59 : i32
      %dma_wait3A_61 = tpu.memref_slice %arg3[%add3A_60] : memref<647680xi32, #tpu.memory_space<hbm>> -> memref<368xi32, #tpu.memory_space<hbm>>
      %dma_wait3A_62 = tpu.memref_slice %arg3[%add3A_60] : memref<647680xi32, #tpu.memory_space<hbm>> -> memref<368xi32, #tpu.memory_space<hbm>>
      tpu.wait_dma2 semaphore(%arg13 : memref<!tpu.dma_semaphore, #tpu.memory_space<semaphore_mem>>) src(%dma_wait3A_62 : memref<368xi32, #tpu.memory_space<hbm>>) dst(%arg7 : memref<368xi32, #tpu.memory_space<vmem>>)
      %mul3A_63 = arith.constant 368 : i32
      %mul3A_64 = arith.muli %mul3A_57, %mul3A_63 : i32
      %add3A_65 = arith.addi %mul3A_4, %mul3A_64 : i32
      %dma_wait3A_66 = tpu.memref_slice %arg4[%add3A_65] : memref<323840xi32, #tpu.memory_space<hbm>> -> memref<368xi32, #tpu.memory_space<hbm>>
      %dma_wait3A_67 = tpu.memref_slice %arg4[%add3A_65] : memref<323840xi32, #tpu.memory_space<hbm>> -> memref<368xi32, #tpu.memory_space<hbm>>
      tpu.wait_dma2 semaphore(%arg13 : memref<!tpu.dma_semaphore, #tpu.memory_space<semaphore_mem>>) src(%dma_wait3A_67 : memref<368xi32, #tpu.memory_space<hbm>>) dst(%arg8 : memref<368xi32, #tpu.memory_space<vmem>>)
      %dma_start3A_68 = arith.constant 0 : i32
      %dma_start3A_69 = arith.constant 0 : i32
      %dma_start3A_70 = tpu.memref_slice %arg2[%dma_start3A_68, %dma_start3A_69] : memref<20000x128xf32, #tpu.memory_space<hbm>> -> memref<20000x128xf32, #tpu.memory_space<hbm>>
      tpu.enqueue_indirect_dma source(%dma_start3A_70 : memref<20000x128xf32, #tpu.memory_space<hbm>>) target(%arg11 : memref<368x128xf32, #tpu.memory_space<vmem>>) offsets(%arg7 : memref<368xi32, #tpu.memory_space<vmem>>) semaphore(%arg15 : memref<!tpu.dma_semaphore, #tpu.memory_space<semaphore_mem>>)
      %dma_wait3A_71 = arith.constant 0 : i32
      %dma_wait3A_72 = arith.constant 0 : i32
      %dma_wait3A_73 = tpu.memref_slice %arg2[%dma_wait3A_71, %dma_wait3A_72] : memref<20000x128xf32, #tpu.memory_space<hbm>> -> memref<20000x128xf32, #tpu.memory_space<hbm>>
      tpu.wait_indirect_dma semaphore(%arg15 : memref<!tpu.dma_semaphore, #tpu.memory_space<semaphore_mem>>) src(%dma_wait3A_73 : memref<20000x128xf32, #tpu.memory_space<hbm>>) dst(%arg11 : memref<368x128xf32, #tpu.memory_space<vmem>>)
      "tpu.region"() ({
        %run_scoped3A = tpu.sem_alloc : memref<!tpu.dma_semaphore, #tpu.memory_space<semaphore_mem>>
        %dma_start3A_108 = arith.constant 0 : i32
        %dma_start3A_109 = arith.constant 0 : i32
        %dma_start3A_110 = tpu.memref_slice %arg12[%dma_start3A_108, %dma_start3A_109] : memref<10056x128xf32, #tpu.memory_space<vmem_shared>> -> memref<10056x128xf32, #tpu.memory_space<vmem_shared>>
        tpu.enqueue_indirect_dma source(%arg11 : memref<368x128xf32, #tpu.memory_space<vmem>>) target(%dma_start3A_110 : memref<10056x128xf32, #tpu.memory_space<vmem_shared>>) offsets(%arg8 : memref<368xi32, #tpu.memory_space<vmem>>) semaphore(%run_scoped3A : memref<!tpu.dma_semaphore, #tpu.memory_space<semaphore_mem>>) {add = true}
        %dma_wait3A_111 = arith.constant 0 : i32
        %dma_wait3A_112 = arith.constant 0 : i32
        %dma_wait3A_113 = tpu.memref_slice %arg12[%dma_wait3A_111, %dma_wait3A_112] : memref<10056x128xf32, #tpu.memory_space<vmem_shared>> -> memref<10056x128xf32, #tpu.memory_space<vmem_shared>>
        tpu.wait_indirect_dma semaphore(%run_scoped3A : memref<!tpu.dma_semaphore, #tpu.memory_space<semaphore_mem>>) src(%arg11 : memref<368x128xf32, #tpu.memory_space<vmem>>) dst(%dma_wait3A_113 : memref<10056x128xf32, #tpu.memory_space<vmem_shared>>)
        tpu.yield
      }) : () -> ()
      %add3A_74 = arith.constant 2 : i32
      %add3A_75 = arith.addi %mul3A_57, %add3A_74 : i32
      %lt3A = arith.constant 55 : i32
      %lt3A_76 = arith.cmpi slt, %add3A_75, %lt3A : i32
      %convert_element_type3A_77 = arith.extui %lt3A_76 : i1 to i32
      %cond3A_78 = arith.constant 0 : i32
      %cond3A_79 = arith.cmpi ne, %convert_element_type3A_77, %cond3A_78 : i32
      scf.if %cond3A_79 {
        %add3A_108 = arith.constant 2 : i32
        %add3A_109 = arith.addi %mul3A_57, %add3A_108 : i32
        %mul3A_110 = arith.constant 368 : i32
        %mul3A_111 = arith.muli %add3A_109, %mul3A_110 : i32
        %add3A_112 = arith.addi %mul3A_2, %mul3A_111 : i32
        %dma_start3A_113 = tpu.memref_slice %arg3[%add3A_112] : memref<647680xi32, #tpu.memory_space<hbm>> -> memref<368xi32, #tpu.memory_space<hbm>>
        %dma_start3A_114 = tpu.memref_slice %arg3[%add3A_112] : memref<647680xi32, #tpu.memory_space<hbm>> -> memref<368xi32, #tpu.memory_space<hbm>>
        tpu.enqueue_dma source(%dma_start3A_114 : memref<368xi32, #tpu.memory_space<hbm>>) target(%arg7 : memref<368xi32, #tpu.memory_space<vmem>>) target_semaphore(%arg13 : memref<!tpu.dma_semaphore, #tpu.memory_space<semaphore_mem>>)
        %mul3A_115 = arith.constant 368 : i32
        %mul3A_116 = arith.muli %add3A_109, %mul3A_115 : i32
        %add3A_117 = arith.addi %mul3A_4, %mul3A_116 : i32
        %dma_start3A_118 = tpu.memref_slice %arg4[%add3A_117] : memref<323840xi32, #tpu.memory_space<hbm>> -> memref<368xi32, #tpu.memory_space<hbm>>
        %dma_start3A_119 = tpu.memref_slice %arg4[%add3A_117] : memref<323840xi32, #tpu.memory_space<hbm>> -> memref<368xi32, #tpu.memory_space<hbm>>
        tpu.enqueue_dma source(%dma_start3A_119 : memref<368xi32, #tpu.memory_space<hbm>>) target(%arg8 : memref<368xi32, #tpu.memory_space<vmem>>) target_semaphore(%arg13 : memref<!tpu.dma_semaphore, #tpu.memory_space<semaphore_mem>>)
      } else {
      }
      %mul3A_80 = arith.constant 2 : i32
      %mul3A_81 = arith.muli %mul3A_80, %scan3A_54 : i32
      %add3A_82 = arith.constant 1 : i32
      %add3A_83 = arith.addi %mul3A_81, %add3A_82 : i32
      %mul3A_84 = arith.constant 368 : i32
      %mul3A_85 = arith.muli %add3A_83, %mul3A_84 : i32
      %add3A_86 = arith.addi %mul3A_2, %mul3A_85 : i32
      %dma_wait3A_87 = tpu.memref_slice %arg3[%add3A_86] : memref<647680xi32, #tpu.memory_space<hbm>> -> memref<368xi32, #tpu.memory_space<hbm>>
      %dma_wait3A_88 = tpu.memref_slice %arg3[%add3A_86] : memref<647680xi32, #tpu.memory_space<hbm>> -> memref<368xi32, #tpu.memory_space<hbm>>
      tpu.wait_dma2 semaphore(%arg14 : memref<!tpu.dma_semaphore, #tpu.memory_space<semaphore_mem>>) src(%dma_wait3A_88 : memref<368xi32, #tpu.memory_space<hbm>>) dst(%arg9 : memref<368xi32, #tpu.memory_space<vmem>>)
      %mul3A_89 = arith.constant 368 : i32
      %mul3A_90 = arith.muli %add3A_83, %mul3A_89 : i32
      %add3A_91 = arith.addi %mul3A_4, %mul3A_90 : i32
      %dma_wait3A_92 = tpu.memref_slice %arg4[%add3A_91] : memref<323840xi32, #tpu.memory_space<hbm>> -> memref<368xi32, #tpu.memory_space<hbm>>
      %dma_wait3A_93 = tpu.memref_slice %arg4[%add3A_91] : memref<323840xi32, #tpu.memory_space<hbm>> -> memref<368xi32, #tpu.memory_space<hbm>>
      tpu.wait_dma2 semaphore(%arg14 : memref<!tpu.dma_semaphore, #tpu.memory_space<semaphore_mem>>) src(%dma_wait3A_93 : memref<368xi32, #tpu.memory_space<hbm>>) dst(%arg10 : memref<368xi32, #tpu.memory_space<vmem>>)
      %dma_start3A_94 = arith.constant 0 : i32
      %dma_start3A_95 = arith.constant 0 : i32
      %dma_start3A_96 = tpu.memref_slice %arg2[%dma_start3A_94, %dma_start3A_95] : memref<20000x128xf32, #tpu.memory_space<hbm>> -> memref<20000x128xf32, #tpu.memory_space<hbm>>
      tpu.enqueue_indirect_dma source(%dma_start3A_96 : memref<20000x128xf32, #tpu.memory_space<hbm>>) target(%arg11 : memref<368x128xf32, #tpu.memory_space<vmem>>) offsets(%arg9 : memref<368xi32, #tpu.memory_space<vmem>>) semaphore(%arg15 : memref<!tpu.dma_semaphore, #tpu.memory_space<semaphore_mem>>)
      %dma_wait3A_97 = arith.constant 0 : i32
      %dma_wait3A_98 = arith.constant 0 : i32
      %dma_wait3A_99 = tpu.memref_slice %arg2[%dma_wait3A_97, %dma_wait3A_98] : memref<20000x128xf32, #tpu.memory_space<hbm>> -> memref<20000x128xf32, #tpu.memory_space<hbm>>
      tpu.wait_indirect_dma semaphore(%arg15 : memref<!tpu.dma_semaphore, #tpu.memory_space<semaphore_mem>>) src(%dma_wait3A_99 : memref<20000x128xf32, #tpu.memory_space<hbm>>) dst(%arg11 : memref<368x128xf32, #tpu.memory_space<vmem>>)
      "tpu.region"() ({
        %run_scoped3A = tpu.sem_alloc : memref<!tpu.dma_semaphore, #tpu.memory_space<semaphore_mem>>
        %dma_start3A_108 = arith.constant 0 : i32
        %dma_start3A_109 = arith.constant 0 : i32
        %dma_start3A_110 = tpu.memref_slice %arg12[%dma_start3A_108, %dma_start3A_109] : memref<10056x128xf32, #tpu.memory_space<vmem_shared>> -> memref<10056x128xf32, #tpu.memory_space<vmem_shared>>
        tpu.enqueue_indirect_dma source(%arg11 : memref<368x128xf32, #tpu.memory_space<vmem>>) target(%dma_start3A_110 : memref<10056x128xf32, #tpu.memory_space<vmem_shared>>) offsets(%arg10 : memref<368xi32, #tpu.memory_space<vmem>>) semaphore(%run_scoped3A : memref<!tpu.dma_semaphore, #tpu.memory_space<semaphore_mem>>) {add = true}
        %dma_wait3A_111 = arith.constant 0 : i32
        %dma_wait3A_112 = arith.constant 0 : i32
        %dma_wait3A_113 = tpu.memref_slice %arg12[%dma_wait3A_111, %dma_wait3A_112] : memref<10056x128xf32, #tpu.memory_space<vmem_shared>> -> memref<10056x128xf32, #tpu.memory_space<vmem_shared>>
        tpu.wait_indirect_dma semaphore(%run_scoped3A : memref<!tpu.dma_semaphore, #tpu.memory_space<semaphore_mem>>) src(%arg11 : memref<368x128xf32, #tpu.memory_space<vmem>>) dst(%dma_wait3A_113 : memref<10056x128xf32, #tpu.memory_space<vmem_shared>>)
        tpu.yield
      }) : () -> ()
      %add3A_100 = arith.constant 2 : i32
      %add3A_101 = arith.addi %add3A_83, %add3A_100 : i32
      %lt3A_102 = arith.constant 55 : i32
      %lt3A_103 = arith.cmpi slt, %add3A_101, %lt3A_102 : i32
      %convert_element_type3A_104 = arith.extui %lt3A_103 : i1 to i32
      %cond3A_105 = arith.constant 0 : i32
      %cond3A_106 = arith.cmpi ne, %convert_element_type3A_104, %cond3A_105 : i32
      scf.if %cond3A_106 {
        %add3A_108 = arith.constant 2 : i32
        %add3A_109 = arith.addi %add3A_83, %add3A_108 : i32
        %mul3A_110 = arith.constant 368 : i32
        %mul3A_111 = arith.muli %add3A_109, %mul3A_110 : i32
        %add3A_112 = arith.addi %mul3A_2, %mul3A_111 : i32
        %dma_start3A_113 = tpu.memref_slice %arg3[%add3A_112] : memref<647680xi32, #tpu.memory_space<hbm>> -> memref<368xi32, #tpu.memory_space<hbm>>
        %dma_start3A_114 = tpu.memref_slice %arg3[%add3A_112] : memref<647680xi32, #tpu.memory_space<hbm>> -> memref<368xi32, #tpu.memory_space<hbm>>
        tpu.enqueue_dma source(%dma_start3A_114 : memref<368xi32, #tpu.memory_space<hbm>>) target(%arg9 : memref<368xi32, #tpu.memory_space<vmem>>) target_semaphore(%arg14 : memref<!tpu.dma_semaphore, #tpu.memory_space<semaphore_mem>>)
        %mul3A_115 = arith.constant 368 : i32
        %mul3A_116 = arith.muli %add3A_109, %mul3A_115 : i32
        %add3A_117 = arith.addi %mul3A_4, %mul3A_116 : i32
        %dma_start3A_118 = tpu.memref_slice %arg4[%add3A_117] : memref<323840xi32, #tpu.memory_space<hbm>> -> memref<368xi32, #tpu.memory_space<hbm>>
        %dma_start3A_119 = tpu.memref_slice %arg4[%add3A_117] : memref<323840xi32, #tpu.memory_space<hbm>> -> memref<368xi32, #tpu.memory_space<hbm>>
        tpu.enqueue_dma source(%dma_start3A_119 : memref<368xi32, #tpu.memory_space<hbm>>) target(%arg10 : memref<368xi32, #tpu.memory_space<vmem>>) target_semaphore(%arg14 : memref<!tpu.dma_semaphore, #tpu.memory_space<semaphore_mem>>)
      } else {
      }
      %scan3A_107 = arith.constant 0 : i32
      scf.yield %scan3A_107 : i32
    }
    %scan3A_29 = arith.constant 27 : i32
    %add3A_30 = arith.constant 19872 : i32
    %add3A_31 = arith.addi %mul3A_2, %add3A_30 : i32
    %dma_wait3A = tpu.memref_slice %arg3[%add3A_31] : memref<647680xi32, #tpu.memory_space<hbm>> -> memref<368xi32, #tpu.memory_space<hbm>>
    %dma_wait3A_32 = tpu.memref_slice %arg3[%add3A_31] : memref<647680xi32, #tpu.memory_space<hbm>> -> memref<368xi32, #tpu.memory_space<hbm>>
    tpu.wait_dma2 semaphore(%arg13 : memref<!tpu.dma_semaphore, #tpu.memory_space<semaphore_mem>>) src(%dma_wait3A_32 : memref<368xi32, #tpu.memory_space<hbm>>) dst(%arg7 : memref<368xi32, #tpu.memory_space<vmem>>)
    %add3A_33 = arith.constant 19872 : i32
    %add3A_34 = arith.addi %mul3A_4, %add3A_33 : i32
    %dma_wait3A_35 = tpu.memref_slice %arg4[%add3A_34] : memref<323840xi32, #tpu.memory_space<hbm>> -> memref<368xi32, #tpu.memory_space<hbm>>
    %dma_wait3A_36 = tpu.memref_slice %arg4[%add3A_34] : memref<323840xi32, #tpu.memory_space<hbm>> -> memref<368xi32, #tpu.memory_space<hbm>>
    tpu.wait_dma2 semaphore(%arg13 : memref<!tpu.dma_semaphore, #tpu.memory_space<semaphore_mem>>) src(%dma_wait3A_36 : memref<368xi32, #tpu.memory_space<hbm>>) dst(%arg8 : memref<368xi32, #tpu.memory_space<vmem>>)
    %dma_start3A_37 = arith.constant 0 : i32
    %dma_start3A_38 = arith.constant 0 : i32
    %dma_start3A_39 = tpu.memref_slice %arg2[%dma_start3A_37, %dma_start3A_38] : memref<20000x128xf32, #tpu.memory_space<hbm>> -> memref<20000x128xf32, #tpu.memory_space<hbm>>
    tpu.enqueue_indirect_dma source(%dma_start3A_39 : memref<20000x128xf32, #tpu.memory_space<hbm>>) target(%arg11 : memref<368x128xf32, #tpu.memory_space<vmem>>) offsets(%arg7 : memref<368xi32, #tpu.memory_space<vmem>>) semaphore(%arg15 : memref<!tpu.dma_semaphore, #tpu.memory_space<semaphore_mem>>)
    %dma_wait3A_40 = arith.constant 0 : i32
    %dma_wait3A_41 = arith.constant 0 : i32
    %dma_wait3A_42 = tpu.memref_slice %arg2[%dma_wait3A_40, %dma_wait3A_41] : memref<20000x128xf32, #tpu.memory_space<hbm>> -> memref<20000x128xf32, #tpu.memory_space<hbm>>
    tpu.wait_indirect_dma semaphore(%arg15 : memref<!tpu.dma_semaphore, #tpu.memory_space<semaphore_mem>>) src(%dma_wait3A_42 : memref<20000x128xf32, #tpu.memory_space<hbm>>) dst(%arg11 : memref<368x128xf32, #tpu.memory_space<vmem>>)
    "tpu.region"() ({
      %run_scoped3A = tpu.sem_alloc : memref<!tpu.dma_semaphore, #tpu.memory_space<semaphore_mem>>
      %dma_start3A_54 = arith.constant 0 : i32
      %dma_start3A_55 = arith.constant 0 : i32
      %dma_start3A_56 = tpu.memref_slice %arg12[%dma_start3A_54, %dma_start3A_55] : memref<10056x128xf32, #tpu.memory_space<vmem_shared>> -> memref<10056x128xf32, #tpu.memory_space<vmem_shared>>
      tpu.enqueue_indirect_dma source(%arg11 : memref<368x128xf32, #tpu.memory_space<vmem>>) target(%dma_start3A_56 : memref<10056x128xf32, #tpu.memory_space<vmem_shared>>) offsets(%arg8 : memref<368xi32, #tpu.memory_space<vmem>>) semaphore(%run_scoped3A : memref<!tpu.dma_semaphore, #tpu.memory_space<semaphore_mem>>) {add = true}
      %dma_wait3A_57 = arith.constant 0 : i32
      %dma_wait3A_58 = arith.constant 0 : i32
      %dma_wait3A_59 = tpu.memref_slice %arg12[%dma_wait3A_57, %dma_wait3A_58] : memref<10056x128xf32, #tpu.memory_space<vmem_shared>> -> memref<10056x128xf32, #tpu.memory_space<vmem_shared>>
      tpu.wait_indirect_dma semaphore(%run_scoped3A : memref<!tpu.dma_semaphore, #tpu.memory_space<semaphore_mem>>) src(%arg11 : memref<368x128xf32, #tpu.memory_space<vmem>>) dst(%dma_wait3A_59 : memref<10056x128xf32, #tpu.memory_space<vmem_shared>>)
      tpu.yield
    }) : () -> ()
    %barrier3A_43 = arith.constant 0 : index
    tpu.barrier barrier_id(%barrier3A_43)
    %mul3A_44 = arith.constant 624 : i32
    %mul3A_45 = arith.muli %arg1, %mul3A_44 : i32
    %mul3A_46 = arith.constant 10000 : i32
    %mul3A_47 = arith.muli %arg0, %mul3A_46 : i32
    %add3A_48 = arith.addi %mul3A_47, %mul3A_45 : i32
    "tpu.region"() ({
      %run_scoped3A = tpu.sem_alloc : memref<!tpu.dma_semaphore, #tpu.memory_space<semaphore_mem>>
      %dma_start3A_54 = arith.constant 0 : i32
      %dma_start3A_55 = tpu.memref_slice %arg6[%add3A_48, %dma_start3A_54] : memref<20000x128xf32, #tpu.memory_space<hbm>> -> memref<624x128xf32, #tpu.memory_space<hbm>>
      %dma_start3A_56 = arith.constant 0 : i32
      %dma_start3A_57 = tpu.memref_slice %arg12[%mul3A_45, %dma_start3A_56] : memref<10056x128xf32, #tpu.memory_space<vmem_shared>> -> memref<624x128xf32, #tpu.memory_space<vmem_shared>>
      tpu.enqueue_dma source(%dma_start3A_57 : memref<624x128xf32, #tpu.memory_space<vmem_shared>>) target(%dma_start3A_55 : memref<624x128xf32, #tpu.memory_space<hbm>>) target_semaphore(%run_scoped3A : memref<!tpu.dma_semaphore, #tpu.memory_space<semaphore_mem>>)
      %dma_wait3A_58 = arith.constant 0 : i32
      %dma_wait3A_59 = tpu.memref_slice %arg6[%add3A_48, %dma_wait3A_58] : memref<20000x128xf32, #tpu.memory_space<hbm>> -> memref<624x128xf32, #tpu.memory_space<hbm>>
      %dma_wait3A_60 = arith.constant 0 : i32
      %dma_wait3A_61 = tpu.memref_slice %arg12[%mul3A_45, %dma_wait3A_60] : memref<10056x128xf32, #tpu.memory_space<vmem_shared>> -> memref<624x128xf32, #tpu.memory_space<vmem_shared>>
      tpu.wait_dma2 semaphore(%run_scoped3A : memref<!tpu.dma_semaphore, #tpu.memory_space<semaphore_mem>>) src(%dma_wait3A_61 : memref<624x128xf32, #tpu.memory_space<vmem_shared>>) dst(%dma_wait3A_59 : memref<624x128xf32, #tpu.memory_space<hbm>>)
      tpu.yield
    }) : () -> ()
    %eq3A_49 = arith.constant 15 : i32
    %eq3A_50 = arith.cmpi eq, %arg1, %eq3A_49 : i32
    %convert_element_type3A_51 = arith.extui %eq3A_50 : i1 to i32
    %cond3A_52 = arith.constant 0 : i32
    %cond3A_53 = arith.cmpi ne, %convert_element_type3A_51, %cond3A_52 : i32
    scf.if %cond3A_53 {
      %mul3A_54 = arith.constant 10000 : i32
      %mul3A_55 = arith.muli %arg0, %mul3A_54 : i32
      %add3A_56 = arith.constant 9984 : i32
      %add3A_57 = arith.addi %mul3A_55, %add3A_56 : i32
      "tpu.region"() ({
        %run_scoped3A = tpu.sem_alloc : memref<!tpu.dma_semaphore, #tpu.memory_space<semaphore_mem>>
        %dma_start3A_58 = arith.constant 0 : i32
        %dma_start3A_59 = tpu.memref_slice %arg6[%add3A_57, %dma_start3A_58] : memref<20000x128xf32, #tpu.memory_space<hbm>> -> memref<16x128xf32, #tpu.memory_space<hbm>>
        %dma_start3A_60 = arith.constant 9984 : i32
        %dma_start3A_61 = arith.constant 0 : i32
        %dma_start3A_62 = tpu.memref_slice %arg12[%dma_start3A_60, %dma_start3A_61] : memref<10056x128xf32, #tpu.memory_space<vmem_shared>> -> memref<16x128xf32, #tpu.memory_space<vmem_shared>>
        tpu.enqueue_dma source(%dma_start3A_62 : memref<16x128xf32, #tpu.memory_space<vmem_shared>>) target(%dma_start3A_59 : memref<16x128xf32, #tpu.memory_space<hbm>>) target_semaphore(%run_scoped3A : memref<!tpu.dma_semaphore, #tpu.memory_space<semaphore_mem>>)
        %dma_wait3A_63 = arith.constant 0 : i32
        %dma_wait3A_64 = tpu.memref_slice %arg6[%add3A_57, %dma_wait3A_63] : memref<20000x128xf32, #tpu.memory_space<hbm>> -> memref<16x128xf32, #tpu.memory_space<hbm>>
        %dma_wait3A_65 = arith.constant 9984 : i32
        %dma_wait3A_66 = arith.constant 0 : i32
        %dma_wait3A_67 = tpu.memref_slice %arg12[%dma_wait3A_65, %dma_wait3A_66] : memref<10056x128xf32, #tpu.memory_space<vmem_shared>> -> memref<16x128xf32, #tpu.memory_space<vmem_shared>>
        tpu.wait_dma2 semaphore(%run_scoped3A : memref<!tpu.dma_semaphore, #tpu.memory_space<semaphore_mem>>) src(%dma_wait3A_67 : memref<16x128xf32, #tpu.memory_space<vmem_shared>>) dst(%dma_wait3A_64 : memref<16x128xf32, #tpu.memory_space<hbm>>)
        tpu.yield
      }) : () -> ()
    } else {
    }
    return
  }
}

module attributes {stable_mosaic.version = 14 : i64} {
  func.func @_pre1_body(%arg0: i32, %arg1: memref<1000x128xf32, #tpu.memory_space<vmem>>, %arg2: memref<256x128xf32, #tpu.memory_space<vmem>>, %arg3: memref<1x256xf32, #tpu.memory_space<vmem>>, %arg4: memref<1000x256xf32, #tpu.memory_space<vmem>>) attributes {dimension_semantics = [#tpu.dimension_semantics<arbitrary>], iteration_bounds = array<i64: 10>, scalar_prefetch = 0 : i64, scratch_operands = 0 : i64, tpu.core_type = #tpu.core_type<tc>, window_params = [{transform_indices = @transform_0, window_bounds = array<i64: 1000, 128>}, {pipeline_mode = #tpu.pipeline_mode<synchronous>, transform_indices = @transform_1, window_bounds = array<i64: 256, 128>}, {pipeline_mode = #tpu.pipeline_mode<synchronous>, transform_indices = @transform_2, window_bounds = array<i64: 1, 256>}, {transform_indices = @transform_3, window_bounds = array<i64: 1000, 256>}]} {
    %get3A = arith.constant 0 : index
    %get3A_0 = arith.constant 0 : index
    %get3A_1 = vector.load %arg1[%get3A, %get3A_0] : memref<1000x128xf32, #tpu.memory_space<vmem>>, vector<1000x128xf32>
    %get3A_2 = arith.constant 0 : index
    %get3A_3 = arith.constant 0 : index
    %get3A_4 = vector.load %arg2[%get3A_2, %get3A_3] : memref<256x128xf32, #tpu.memory_space<vmem>>, vector<256x128xf32>
    %dot_general3A = arith.constant dense<0.000000e+00> : vector<1000x256xf32>
    %dot_general3A_5 = tpu.matmul %get3A_1, %get3A_4, %dot_general3A {dimension_numbers = #tpu.dot_dimension_numbers<[1], [1], [0], [0], [0, 0, 1, 0], [], []>, transpose_lhs_hint = false} : vector<1000x128xf32>, vector<256x128xf32>, vector<1000x256xf32> -> vector<1000x256xf32>
    %get3A_6 = arith.constant 0 : index
    %get3A_7 = arith.constant 0 : index
    %get3A_8 = vector.load %arg3[%get3A_6, %get3A_7] : memref<1x256xf32, #tpu.memory_space<vmem>>, vector<1x256xf32>
    %add3A = vector.broadcast %get3A_8 : vector<1x256xf32> to vector<1000x256xf32>
    %add3A_9 = arith.addf %dot_general3A_5, %add3A : vector<1000x256xf32>
    %swap3A = arith.constant 0 : index
    %swap3A_10 = arith.constant 0 : index
    %swap3A_11 = vector.load %arg4[%swap3A, %swap3A_10] : memref<1000x256xf32, #tpu.memory_space<vmem>>, vector<1000x256xf32>
    tpu.vector_store %arg4[%swap3A, %swap3A_10], %add3A_9 {strides = array<i32>} : memref<1000x256xf32, #tpu.memory_space<vmem>>, vector<1000x256xf32>,
    return
  }
  func.func @transform_0(%arg0: i32) -> (i32, i32) {
    %c0_i32 = arith.constant 0 : i32
    %c0_i32_0 = arith.constant 0 : i32
    return %arg0, %c0_i32 : i32, i32
  }
  func.func @transform_1(%arg0: i32) -> (i32, i32) {
    %c0_i32 = arith.constant 0 : i32
    %c0_i32_0 = arith.constant 0 : i32
    %c0_i32_1 = arith.constant 0 : i32
    return %c0_i32, %c0_i32_0 : i32, i32
  }
  func.func @transform_2(%arg0: i32) -> (i32, i32) {
    %c0_i32 = arith.constant 0 : i32
    %c0_i32_0 = arith.constant 0 : i32
    %c0_i32_1 = arith.constant 0 : i32
    return %c0_i32, %c0_i32_0 : i32, i32
  }
  func.func @transform_3(%arg0: i32) -> (i32, i32) {
    %c0_i32 = arith.constant 0 : i32
    %c0_i32_0 = arith.constant 0 : i32
    return %arg0, %c0_i32 : i32, i32
  }
}

module attributes {stable_mosaic.version = 14 : i64} {
  func.func @_tc1_body(%arg0: i32, %arg1: memref<2x1000x128xf32, #tpu.memory_space<vmem>>, %arg2: memref<1000x256xf32, #tpu.memory_space<vmem>>, %arg3: memref<256x128xf32, #tpu.memory_space<vmem>>, %arg4: memref<2x1000x128xf32, #tpu.memory_space<vmem>>, %arg5: memref<1000x128xf32, #tpu.memory_space<vmem>>) attributes {dimension_semantics = [#tpu.dimension_semantics<arbitrary>], iteration_bounds = array<i64: 10>, scalar_prefetch = 0 : i64, scratch_operands = 0 : i64, tpu.core_type = #tpu.core_type<tc>, window_params = [{transform_indices = @transform_0, window_bounds = array<i64: 2, 1000, 128>}, {transform_indices = @transform_1, window_bounds = array<i64: 1000, 256>}, {pipeline_mode = #tpu.pipeline_mode<synchronous>, transform_indices = @transform_2, window_bounds = array<i64: 256, 128>}, {transform_indices = @transform_3, window_bounds = array<i64: 2, 1000, 128>}, {transform_indices = @transform_4, window_bounds = array<i64: 1000, 128>}]} {
    %get3A = arith.constant 0 : index
    %get3A_0 = arith.constant 0 : index
    %get3A_1 = arith.constant 0 : index
    %get3A_2 = vector.load %arg1[%get3A, %get3A_0, %get3A_1] : memref<2x1000x128xf32, #tpu.memory_space<vmem>>, vector<1x1000x128xf32>
    %get3A_3 = vector.shape_cast %get3A_2 : vector<1x1000x128xf32> to vector<1000x128xf32>
    %get3A_4 = arith.constant 1 : index
    %get3A_5 = arith.constant 0 : index
    %get3A_6 = arith.constant 0 : index
    %get3A_7 = vector.load %arg1[%get3A_4, %get3A_5, %get3A_6] : memref<2x1000x128xf32, #tpu.memory_space<vmem>>, vector<1x1000x128xf32>
    %get3A_8 = vector.shape_cast %get3A_7 : vector<1x1000x128xf32> to vector<1000x128xf32>
    %add3A = arith.addf %get3A_3, %get3A_8 : vector<1000x128xf32>
    %slice3A = vector.extract_strided_slice %add3A {offsets = [0, 0], sizes = [1000, 1], strides = [1, 1]} : vector<1000x128xf32> to vector<1000x1xf32>
    %mul3A = arith.constant 9.765625E-4 : f32
    %mul3A_9 = vector.broadcast %mul3A : f32 to vector<1000x1xf32>
    %mul3A_10 = arith.mulf %slice3A, %mul3A_9 : vector<1000x1xf32>
    %round3A = math.roundeven %mul3A_10 : vector<1000x1xf32>
    %max3A = arith.constant 1.000000e+00 : f32
    %max3A_11 = vector.broadcast %max3A : f32 to vector<1000x1xf32>
    %max3A_12 = arith.maximumf %round3A, %max3A_11 : vector<1000x1xf32>
    %div3A = arith.constant 1.000000e+00 : f32
    %div3A_13 = vector.broadcast %div3A : f32 to vector<1000x1xf32>
    %div3A_14 = arith.divf %div3A_13, %max3A_12 : vector<1000x1xf32>
    %mul3A_15 = arith.constant 1.024000e+03 : f32
    %mul3A_16 = vector.broadcast %mul3A_15 : f32 to vector<1000x1xf32>
    %mul3A_17 = arith.mulf %mul3A_16, %round3A : vector<1000x1xf32>
    %sub3A = vector.broadcast %mul3A_17 : vector<1000x1xf32> to vector<1000x128xf32>
    %sub3A_18 = arith.subf %add3A, %sub3A : vector<1000x128xf32>
    %mul3A_19 = vector.broadcast %div3A_14 : vector<1000x1xf32> to vector<1000x128xf32>
    %mul3A_20 = arith.mulf %sub3A_18, %mul3A_19 : vector<1000x128xf32>
    %get3A_21 = arith.constant 0 : index
    %get3A_22 = arith.constant 0 : index
    %get3A_23 = vector.load %arg3[%get3A_21, %get3A_22] : memref<256x128xf32, #tpu.memory_space<vmem>>, vector<256x128xf32>
    %dot_general3A = arith.constant dense<0.000000e+00> : vector<1000x256xf32>
    %dot_general3A_24 = tpu.matmul %mul3A_20, %get3A_23, %dot_general3A {dimension_numbers = #tpu.dot_dimension_numbers<[1], [1], [0], [0], [0, 0, 1, 0], [], []>, transpose_lhs_hint = false} : vector<1000x128xf32>, vector<256x128xf32>, vector<1000x256xf32> -> vector<1000x256xf32>
    %get3A_25 = arith.constant 0 : index
    %get3A_26 = arith.constant 0 : index
    %get3A_27 = vector.load %arg2[%get3A_25, %get3A_26] : memref<1000x256xf32, #tpu.memory_space<vmem>>, vector<1000x256xf32>
    %add3A_28 = arith.addf %dot_general3A_24, %get3A_27 : vector<1000x256xf32>
    %ge3A = arith.constant 0.000000e+00 : f32
    %ge3A_29 = vector.broadcast %ge3A : f32 to vector<1000x256xf32>
    %ge3A_30 = arith.cmpf oge, %add3A_28, %ge3A_29 : vector<1000x256xf32>
    %mul3A_31 = arith.constant 2.500000e-01 : f32
    %mul3A_32 = vector.broadcast %mul3A_31 : f32 to vector<1000x256xf32>
    %mul3A_33 = arith.mulf %mul3A_32, %add3A_28 : vector<1000x256xf32>
    %select_n3A = arith.select %ge3A_30, %add3A_28, %mul3A_33 : vector<1000x256xi1>, vector<1000x256xf32>
    %slice3A_34 = vector.extract_strided_slice %select_n3A {offsets = [0, 0], sizes = [1000, 128], strides = [1, 1]} : vector<1000x256xf32> to vector<1000x128xf32>
    %swap3A = arith.constant 0 : index
    %swap3A_35 = arith.constant 0 : index
    %swap3A_36 = arith.constant 0 : index
    %swap3A_37 = vector.load %arg4[%swap3A, %swap3A_35, %swap3A_36] : memref<2x1000x128xf32, #tpu.memory_space<vmem>>, vector<1x1000x128xf32>
    %swap3A_38 = vector.shape_cast %swap3A_37 : vector<1x1000x128xf32> to vector<1000x128xf32>
    %swap3A_39 = vector.shape_cast %slice3A_34 : vector<1000x128xf32> to vector<1x1000x128xf32>
    tpu.vector_store %arg4[%swap3A, %swap3A_35, %swap3A_36], %swap3A_39 {strides = array<i32>} : memref<2x1000x128xf32, #tpu.memory_space<vmem>>, vector<1x1000x128xf32>,
    %slice3A_40 = vector.extract_strided_slice %select_n3A {offsets = [0, 128], sizes = [1000, 128], strides = [1, 1]} : vector<1000x256xf32> to vector<1000x128xf32>
    %swap3A_41 = arith.constant 1 : index
    %swap3A_42 = arith.constant 0 : index
    %swap3A_43 = arith.constant 0 : index
    %swap3A_44 = vector.load %arg4[%swap3A_41, %swap3A_42, %swap3A_43] : memref<2x1000x128xf32, #tpu.memory_space<vmem>>, vector<1x1000x128xf32>
    %swap3A_45 = vector.shape_cast %swap3A_44 : vector<1x1000x128xf32> to vector<1000x128xf32>
    %swap3A_46 = vector.shape_cast %slice3A_40 : vector<1000x128xf32> to vector<1x1000x128xf32>
    tpu.vector_store %arg4[%swap3A_41, %swap3A_42, %swap3A_43], %swap3A_46 {strides = array<i32>} : memref<2x1000x128xf32, #tpu.memory_space<vmem>>, vector<1x1000x128xf32>,
    %broadcast_in_dim3A = vector.shape_cast %div3A_14 : vector<1000x1xf32> to vector<1000x1xf32>
    %broadcast_in_dim3A_47 = vector.broadcast %broadcast_in_dim3A : vector<1000x1xf32> to vector<1000x128xf32>
    %swap3A_48 = arith.constant 0 : index
    %swap3A_49 = arith.constant 0 : index
    %swap3A_50 = vector.load %arg5[%swap3A_48, %swap3A_49] : memref<1000x128xf32, #tpu.memory_space<vmem>>, vector<1000x128xf32>
    tpu.vector_store %arg5[%swap3A_48, %swap3A_49], %broadcast_in_dim3A_47 {strides = array<i32>} : memref<1000x128xf32, #tpu.memory_space<vmem>>, vector<1000x128xf32>,
    return
  }
  func.func @transform_0(%arg0: i32) -> (i32, i32, i32) {
    %c0_i32 = arith.constant 0 : i32
    %c0_i32_0 = arith.constant 0 : i32
    %c0_i32_1 = arith.constant 0 : i32
    return %c0_i32, %arg0, %c0_i32_0 : i32, i32, i32
  }
  func.func @transform_1(%arg0: i32) -> (i32, i32) {
    %c0_i32 = arith.constant 0 : i32
    %c0_i32_0 = arith.constant 0 : i32
    return %arg0, %c0_i32 : i32, i32
  }
  func.func @transform_2(%arg0: i32) -> (i32, i32) {
    %c0_i32 = arith.constant 0 : i32
    %c0_i32_0 = arith.constant 0 : i32
    %c0_i32_1 = arith.constant 0 : i32
    return %c0_i32, %c0_i32_0 : i32, i32
  }
  func.func @transform_3(%arg0: i32) -> (i32, i32, i32) {
    %c0_i32 = arith.constant 0 : i32
    %c0_i32_0 = arith.constant 0 : i32
    %c0_i32_1 = arith.constant 0 : i32
    return %c0_i32, %arg0, %c0_i32_0 : i32, i32, i32
  }
  func.func @transform_4(%arg0: i32) -> (i32, i32) {
    %c0_i32 = arith.constant 0 : i32
    %c0_i32_0 = arith.constant 0 : i32
    return %arg0, %c0_i32 : i32, i32
  }
}

module attributes {stable_mosaic.version = 14 : i64} {
  func.func @_pre_body(%arg0: i32, %arg1: memref<2x1000x128xf32, #tpu.memory_space<vmem>>, %arg2: memref<256x256xf32, #tpu.memory_space<vmem>>, %arg3: memref<1x256xf32, #tpu.memory_space<vmem>>, %arg4: memref<1000x256xf32, #tpu.memory_space<vmem>>) attributes {dimension_semantics = [#tpu.dimension_semantics<arbitrary>], iteration_bounds = array<i64: 10>, scalar_prefetch = 0 : i64, scratch_operands = 0 : i64, tpu.core_type = #tpu.core_type<tc>, window_params = [{transform_indices = @transform_0, window_bounds = array<i64: 2, 1000, 128>}, {pipeline_mode = #tpu.pipeline_mode<synchronous>, transform_indices = @transform_1, window_bounds = array<i64: 256, 256>}, {pipeline_mode = #tpu.pipeline_mode<synchronous>, transform_indices = @transform_2, window_bounds = array<i64: 1, 256>}, {transform_indices = @transform_3, window_bounds = array<i64: 1000, 256>}]} {
    %get3A = arith.constant 0 : index
    %get3A_0 = arith.constant 0 : index
    %get3A_1 = arith.constant 0 : index
    %get3A_2 = vector.load %arg1[%get3A, %get3A_0, %get3A_1] : memref<2x1000x128xf32, #tpu.memory_space<vmem>>, vector<1x1000x128xf32>
    %get3A_3 = vector.shape_cast %get3A_2 : vector<1x1000x128xf32> to vector<1000x128xf32>
    %get3A_4 = arith.constant 1 : index
    %get3A_5 = arith.constant 0 : index
    %get3A_6 = arith.constant 0 : index
    %get3A_7 = vector.load %arg1[%get3A_4, %get3A_5, %get3A_6] : memref<2x1000x128xf32, #tpu.memory_space<vmem>>, vector<1x1000x128xf32>
    %get3A_8 = vector.shape_cast %get3A_7 : vector<1x1000x128xf32> to vector<1000x128xf32>
    %concatenate3A = tpu.concatenate %get3A_3, %get3A_8 in 1 : vector<1000x128xf32>, vector<1000x128xf32> -> vector<1000x256xf32>
    %get3A_9 = arith.constant 0 : index
    %get3A_10 = arith.constant 0 : index
    %get3A_11 = vector.load %arg2[%get3A_9, %get3A_10] : memref<256x256xf32, #tpu.memory_space<vmem>>, vector<256x256xf32>
    %dot_general3A = arith.constant dense<0.000000e+00> : vector<1000x256xf32>
    %dot_general3A_12 = tpu.matmul %concatenate3A, %get3A_11, %dot_general3A {dimension_numbers = #tpu.dot_dimension_numbers<[1], [1], [0], [0], [0, 0, 1, 0], [], []>, transpose_lhs_hint = false} : vector<1000x256xf32>, vector<256x256xf32>, vector<1000x256xf32> -> vector<1000x256xf32>
    %get3A_13 = arith.constant 0 : index
    %get3A_14 = arith.constant 0 : index
    %get3A_15 = vector.load %arg3[%get3A_13, %get3A_14] : memref<1x256xf32, #tpu.memory_space<vmem>>, vector<1x256xf32>
    %add3A = vector.broadcast %get3A_15 : vector<1x256xf32> to vector<1000x256xf32>
    %add3A_16 = arith.addf %dot_general3A_12, %add3A : vector<1000x256xf32>
    %swap3A = arith.constant 0 : index
    %swap3A_17 = arith.constant 0 : index
    %swap3A_18 = vector.load %arg4[%swap3A, %swap3A_17] : memref<1000x256xf32, #tpu.memory_space<vmem>>, vector<1000x256xf32>
    tpu.vector_store %arg4[%swap3A, %swap3A_17], %add3A_16 {strides = array<i32>} : memref<1000x256xf32, #tpu.memory_space<vmem>>, vector<1000x256xf32>,
    return
  }
  func.func @transform_0(%arg0: i32) -> (i32, i32, i32) {
    %c0_i32 = arith.constant 0 : i32
    %c0_i32_0 = arith.constant 0 : i32
    %c0_i32_1 = arith.constant 0 : i32
    return %c0_i32, %arg0, %c0_i32_0 : i32, i32, i32
  }
  func.func @transform_1(%arg0: i32) -> (i32, i32) {
    %c0_i32 = arith.constant 0 : i32
    %c0_i32_0 = arith.constant 0 : i32
    %c0_i32_1 = arith.constant 0 : i32
    return %c0_i32, %c0_i32_0 : i32, i32
  }
  func.func @transform_2(%arg0: i32) -> (i32, i32) {
    %c0_i32 = arith.constant 0 : i32
    %c0_i32_0 = arith.constant 0 : i32
    %c0_i32_1 = arith.constant 0 : i32
    return %c0_i32, %c0_i32_0 : i32, i32
  }
  func.func @transform_3(%arg0: i32) -> (i32, i32) {
    %c0_i32 = arith.constant 0 : i32
    %c0_i32_0 = arith.constant 0 : i32
    return %arg0, %c0_i32 : i32, i32
  }
}

module attributes {stable_mosaic.version = 14 : i64} {
  func.func @_tc2_body(%arg0: i32, %arg1: memref<2x1000x128xf32, #tpu.memory_space<vmem>>, %arg2: memref<1000x128xf32, #tpu.memory_space<vmem>>, %arg3: memref<1000x256xf32, #tpu.memory_space<vmem>>, %arg4: memref<256x256xf32, #tpu.memory_space<vmem>>, %arg5: memref<128x256xf32, #tpu.memory_space<vmem>>, %arg6: memref<2x1000x128xf32, #tpu.memory_space<vmem>>, %arg7: memref<1000x128xf32, #tpu.memory_space<vmem>>) attributes {dimension_semantics = [#tpu.dimension_semantics<arbitrary>], iteration_bounds = array<i64: 10>, scalar_prefetch = 0 : i64, scratch_operands = 0 : i64, tpu.core_type = #tpu.core_type<tc>, window_params = [{transform_indices = @transform_0, window_bounds = array<i64: 2, 1000, 128>}, {transform_indices = @transform_1, window_bounds = array<i64: 1000, 128>}, {transform_indices = @transform_2, window_bounds = array<i64: 1000, 256>}, {pipeline_mode = #tpu.pipeline_mode<synchronous>, transform_indices = @transform_3, window_bounds = array<i64: 256, 256>}, {pipeline_mode = #tpu.pipeline_mode<synchronous>, transform_indices = @transform_4, window_bounds = array<i64: 128, 256>}, {transform_indices = @transform_5, window_bounds = array<i64: 2, 1000, 128>}, {transform_indices = @transform_6, window_bounds = array<i64: 1000, 128>}]} {
    %get3A = arith.constant 0 : index
    %get3A_0 = arith.constant 0 : index
    %get3A_1 = arith.constant 0 : index
    %get3A_2 = vector.load %arg1[%get3A, %get3A_0, %get3A_1] : memref<2x1000x128xf32, #tpu.memory_space<vmem>>, vector<1x1000x128xf32>
    %get3A_3 = vector.shape_cast %get3A_2 : vector<1x1000x128xf32> to vector<1000x128xf32>
    %get3A_4 = arith.constant 1 : index
    %get3A_5 = arith.constant 0 : index
    %get3A_6 = arith.constant 0 : index
    %get3A_7 = vector.load %arg1[%get3A_4, %get3A_5, %get3A_6] : memref<2x1000x128xf32, #tpu.memory_space<vmem>>, vector<1x1000x128xf32>
    %get3A_8 = vector.shape_cast %get3A_7 : vector<1x1000x128xf32> to vector<1000x128xf32>
    %concatenate3A = tpu.concatenate %get3A_3, %get3A_8 in 1 : vector<1000x128xf32>, vector<1000x128xf32> -> vector<1000x256xf32>
    %get3A_9 = arith.constant 0 : index
    %get3A_10 = arith.constant 0 : index
    %get3A_11 = vector.load %arg2[%get3A_9, %get3A_10] : memref<1000x128xf32, #tpu.memory_space<vmem>>, vector<1000x1xf32>
    %mul3A = vector.broadcast %get3A_11 : vector<1000x1xf32> to vector<1000x256xf32>
    %mul3A_12 = arith.mulf %concatenate3A, %mul3A : vector<1000x256xf32>
    %get3A_13 = arith.constant 0 : index
    %get3A_14 = arith.constant 0 : index
    %get3A_15 = vector.load %arg4[%get3A_13, %get3A_14] : memref<256x256xf32, #tpu.memory_space<vmem>>, vector<256x256xf32>
    %dot_general3A = arith.constant dense<0.000000e+00> : vector<1000x256xf32>
    %dot_general3A_16 = tpu.matmul %mul3A_12, %get3A_15, %dot_general3A {dimension_numbers = #tpu.dot_dimension_numbers<[1], [1], [0], [0], [0, 0, 1, 0], [], []>, transpose_lhs_hint = false} : vector<1000x256xf32>, vector<256x256xf32>, vector<1000x256xf32> -> vector<1000x256xf32>
    %get3A_17 = arith.constant 0 : index
    %get3A_18 = arith.constant 0 : index
    %get3A_19 = vector.load %arg3[%get3A_17, %get3A_18] : memref<1000x256xf32, #tpu.memory_space<vmem>>, vector<1000x256xf32>
    %add3A = arith.addf %dot_general3A_16, %get3A_19 : vector<1000x256xf32>
    %ge3A = arith.constant 0.000000e+00 : f32
    %ge3A_20 = vector.broadcast %ge3A : f32 to vector<1000x256xf32>
    %ge3A_21 = arith.cmpf oge, %add3A, %ge3A_20 : vector<1000x256xf32>
    %mul3A_22 = arith.constant 2.500000e-01 : f32
    %mul3A_23 = vector.broadcast %mul3A_22 : f32 to vector<1000x256xf32>
    %mul3A_24 = arith.mulf %mul3A_23, %add3A : vector<1000x256xf32>
    %select_n3A = arith.select %ge3A_21, %add3A, %mul3A_24 : vector<1000x256xi1>, vector<1000x256xf32>
    %get3A_25 = arith.constant 0 : index
    %get3A_26 = arith.constant 0 : index
    %get3A_27 = vector.load %arg5[%get3A_25, %get3A_26] : memref<128x256xf32, #tpu.memory_space<vmem>>, vector<128x256xf32>
    %dot_general3A_28 = arith.constant dense<0.000000e+00> : vector<1000x128xf32>
    %dot_general3A_29 = tpu.matmul %select_n3A, %get3A_27, %dot_general3A_28 {dimension_numbers = #tpu.dot_dimension_numbers<[1], [1], [0], [0], [0, 0, 1, 0], [], []>, transpose_lhs_hint = false} : vector<1000x256xf32>, vector<128x256xf32>, vector<1000x128xf32> -> vector<1000x128xf32>
    %slice3A = vector.extract_strided_slice %select_n3A {offsets = [0, 0], sizes = [1000, 128], strides = [1, 1]} : vector<1000x256xf32> to vector<1000x128xf32>
    %swap3A = arith.constant 0 : index
    %swap3A_30 = arith.constant 0 : index
    %swap3A_31 = arith.constant 0 : index
    %swap3A_32 = vector.load %arg6[%swap3A, %swap3A_30, %swap3A_31] : memref<2x1000x128xf32, #tpu.memory_space<vmem>>, vector<1x1000x128xf32>
    %swap3A_33 = vector.shape_cast %swap3A_32 : vector<1x1000x128xf32> to vector<1000x128xf32>
    %swap3A_34 = vector.shape_cast %slice3A : vector<1000x128xf32> to vector<1x1000x128xf32>
    tpu.vector_store %arg6[%swap3A, %swap3A_30, %swap3A_31], %swap3A_34 {strides = array<i32>} : memref<2x1000x128xf32, #tpu.memory_space<vmem>>, vector<1x1000x128xf32>,
    %slice3A_35 = vector.extract_strided_slice %select_n3A {offsets = [0, 128], sizes = [1000, 128], strides = [1, 1]} : vector<1000x256xf32> to vector<1000x128xf32>
    %swap3A_36 = arith.constant 1 : index
    %swap3A_37 = arith.constant 0 : index
    %swap3A_38 = arith.constant 0 : index
    %swap3A_39 = vector.load %arg6[%swap3A_36, %swap3A_37, %swap3A_38] : memref<2x1000x128xf32, #tpu.memory_space<vmem>>, vector<1x1000x128xf32>
    %swap3A_40 = vector.shape_cast %swap3A_39 : vector<1x1000x128xf32> to vector<1000x128xf32>
    %swap3A_41 = vector.shape_cast %slice3A_35 : vector<1000x128xf32> to vector<1x1000x128xf32>
    tpu.vector_store %arg6[%swap3A_36, %swap3A_37, %swap3A_38], %swap3A_41 {strides = array<i32>} : memref<2x1000x128xf32, #tpu.memory_space<vmem>>, vector<1x1000x128xf32>,
    %swap3A_42 = arith.constant 0 : index
    %swap3A_43 = arith.constant 0 : index
    %swap3A_44 = vector.load %arg7[%swap3A_42, %swap3A_43] : memref<1000x128xf32, #tpu.memory_space<vmem>>, vector<1000x128xf32>
    tpu.vector_store %arg7[%swap3A_42, %swap3A_43], %dot_general3A_29 {strides = array<i32>} : memref<1000x128xf32, #tpu.memory_space<vmem>>, vector<1000x128xf32>,
    return
  }
  func.func @transform_0(%arg0: i32) -> (i32, i32, i32) {
    %c0_i32 = arith.constant 0 : i32
    %c0_i32_0 = arith.constant 0 : i32
    %c0_i32_1 = arith.constant 0 : i32
    return %c0_i32, %arg0, %c0_i32_0 : i32, i32, i32
  }
  func.func @transform_1(%arg0: i32) -> (i32, i32) {
    %c0_i32 = arith.constant 0 : i32
    %c0_i32_0 = arith.constant 0 : i32
    return %arg0, %c0_i32 : i32, i32
  }
  func.func @transform_2(%arg0: i32) -> (i32, i32) {
    %c0_i32 = arith.constant 0 : i32
    %c0_i32_0 = arith.constant 0 : i32
    return %arg0, %c0_i32 : i32, i32
  }
  func.func @transform_3(%arg0: i32) -> (i32, i32) {
    %c0_i32 = arith.constant 0 : i32
    %c0_i32_0 = arith.constant 0 : i32
    %c0_i32_1 = arith.constant 0 : i32
    return %c0_i32, %c0_i32_0 : i32, i32
  }
  func.func @transform_4(%arg0: i32) -> (i32, i32) {
    %c0_i32 = arith.constant 0 : i32
    %c0_i32_0 = arith.constant 0 : i32
    %c0_i32_1 = arith.constant 0 : i32
    return %c0_i32, %c0_i32_0 : i32, i32
  }
  func.func @transform_5(%arg0: i32) -> (i32, i32, i32) {
    %c0_i32 = arith.constant 0 : i32
    %c0_i32_0 = arith.constant 0 : i32
    %c0_i32_1 = arith.constant 0 : i32
    return %c0_i32, %arg0, %c0_i32_0 : i32, i32, i32
  }
  func.func @transform_6(%arg0: i32) -> (i32, i32) {
    %c0_i32 = arith.constant 0 : i32
    %c0_i32_0 = arith.constant 0 : i32
    return %arg0, %c0_i32 : i32, i32
  }
}

module attributes {stable_mosaic.version = 14 : i64} {
  func.func @_pre_body(%arg0: i32, %arg1: memref<2x1000x128xf32, #tpu.memory_space<vmem>>, %arg2: memref<128x256xf32, #tpu.memory_space<vmem>>, %arg3: memref<1x128xf32, #tpu.memory_space<vmem>>, %arg4: memref<1000x128xf32, #tpu.memory_space<vmem>>) attributes {dimension_semantics = [#tpu.dimension_semantics<arbitrary>], iteration_bounds = array<i64: 10>, scalar_prefetch = 0 : i64, scratch_operands = 0 : i64, tpu.core_type = #tpu.core_type<tc>, window_params = [{transform_indices = @transform_0, window_bounds = array<i64: 2, 1000, 128>}, {pipeline_mode = #tpu.pipeline_mode<synchronous>, transform_indices = @transform_1, window_bounds = array<i64: 128, 256>}, {pipeline_mode = #tpu.pipeline_mode<synchronous>, transform_indices = @transform_2, window_bounds = array<i64: 1, 128>}, {transform_indices = @transform_3, window_bounds = array<i64: 1000, 128>}]} {
    %get3A = arith.constant 0 : index
    %get3A_0 = arith.constant 0 : index
    %get3A_1 = arith.constant 0 : index
    %get3A_2 = vector.load %arg1[%get3A, %get3A_0, %get3A_1] : memref<2x1000x128xf32, #tpu.memory_space<vmem>>, vector<1x1000x128xf32>
    %get3A_3 = vector.shape_cast %get3A_2 : vector<1x1000x128xf32> to vector<1000x128xf32>
    %get3A_4 = arith.constant 1 : index
    %get3A_5 = arith.constant 0 : index
    %get3A_6 = arith.constant 0 : index
    %get3A_7 = vector.load %arg1[%get3A_4, %get3A_5, %get3A_6] : memref<2x1000x128xf32, #tpu.memory_space<vmem>>, vector<1x1000x128xf32>
    %get3A_8 = vector.shape_cast %get3A_7 : vector<1x1000x128xf32> to vector<1000x128xf32>
    %concatenate3A = tpu.concatenate %get3A_3, %get3A_8 in 1 : vector<1000x128xf32>, vector<1000x128xf32> -> vector<1000x256xf32>
    %get3A_9 = arith.constant 0 : index
    %get3A_10 = arith.constant 0 : index
    %get3A_11 = vector.load %arg2[%get3A_9, %get3A_10] : memref<128x256xf32, #tpu.memory_space<vmem>>, vector<128x256xf32>
    %dot_general3A = arith.constant dense<0.000000e+00> : vector<1000x128xf32>
    %dot_general3A_12 = tpu.matmul %concatenate3A, %get3A_11, %dot_general3A {dimension_numbers = #tpu.dot_dimension_numbers<[1], [1], [0], [0], [0, 0, 1, 0], [], []>, transpose_lhs_hint = false} : vector<1000x256xf32>, vector<128x256xf32>, vector<1000x128xf32> -> vector<1000x128xf32>
    %get3A_13 = arith.constant 0 : index
    %get3A_14 = arith.constant 0 : index
    %get3A_15 = vector.load %arg3[%get3A_13, %get3A_14] : memref<1x128xf32, #tpu.memory_space<vmem>>, vector<1x128xf32>
    %add3A = vector.broadcast %get3A_15 : vector<1x128xf32> to vector<1000x128xf32>
    %add3A_16 = arith.addf %dot_general3A_12, %add3A : vector<1000x128xf32>
    %swap3A = arith.constant 0 : index
    %swap3A_17 = arith.constant 0 : index
    %swap3A_18 = vector.load %arg4[%swap3A, %swap3A_17] : memref<1000x128xf32, #tpu.memory_space<vmem>>, vector<1000x128xf32>
    tpu.vector_store %arg4[%swap3A, %swap3A_17], %add3A_16 {strides = array<i32>} : memref<1000x128xf32, #tpu.memory_space<vmem>>, vector<1000x128xf32>,
    return
  }
  func.func @transform_0(%arg0: i32) -> (i32, i32, i32) {
    %c0_i32 = arith.constant 0 : i32
    %c0_i32_0 = arith.constant 0 : i32
    %c0_i32_1 = arith.constant 0 : i32
    return %c0_i32, %arg0, %c0_i32_0 : i32, i32, i32
  }
  func.func @transform_1(%arg0: i32) -> (i32, i32) {
    %c0_i32 = arith.constant 0 : i32
    %c0_i32_0 = arith.constant 0 : i32
    %c0_i32_1 = arith.constant 0 : i32
    return %c0_i32, %c0_i32_0 : i32, i32
  }
  func.func @transform_2(%arg0: i32) -> (i32, i32) {
    %c0_i32 = arith.constant 0 : i32
    %c0_i32_0 = arith.constant 0 : i32
    %c0_i32_1 = arith.constant 0 : i32
    return %c0_i32, %c0_i32_0 : i32, i32
  }
  func.func @transform_3(%arg0: i32) -> (i32, i32) {
    %c0_i32 = arith.constant 0 : i32
    %c0_i32_0 = arith.constant 0 : i32
    return %arg0, %c0_i32 : i32, i32
  }
}

module attributes {stable_mosaic.version = 14 : i64} {
  func.func @_tc3_body(%arg0: i32, %arg1: memref<2x1000x128xf32, #tpu.memory_space<vmem>>, %arg2: memref<1000x128xf32, #tpu.memory_space<vmem>>, %arg3: memref<1000x128xf32, #tpu.memory_space<vmem>>, %arg4: memref<1xi32, #tpu.memory_space<smem>>, %arg5: memref<1xi32, #tpu.memory_space<smem>>, %arg6: memref<1000x128xf32, #tpu.memory_space<vmem>>) attributes {dimension_semantics = [#tpu.dimension_semantics<arbitrary>], iteration_bounds = array<i64: 10>, scalar_prefetch = 0 : i64, scratch_operands = 0 : i64, tpu.core_type = #tpu.core_type<tc>, window_params = [{transform_indices = @transform_0, window_bounds = array<i64: 2, 1000, 128>}, {transform_indices = @transform_1, window_bounds = array<i64: 1000, 128>}, {transform_indices = @transform_2, window_bounds = array<i64: 1000, 128>}, {transform_indices = @transform_3, window_bounds = array<i64: 1>}, {transform_indices = @transform_4, window_bounds = array<i64: 1>}, {transform_indices = @transform_5, window_bounds = array<i64: 1000, 128>}]} {
    %get3A = arith.constant 0 : index
    %get3A_0 = arith.constant 0 : index
    %get3A_1 = arith.constant 0 : index
    %get3A_2 = vector.load %arg1[%get3A, %get3A_0, %get3A_1] : memref<2x1000x128xf32, #tpu.memory_space<vmem>>, vector<1x1000x128xf32>
    %get3A_3 = vector.shape_cast %get3A_2 : vector<1x1000x128xf32> to vector<1000x128xf32>
    %get3A_4 = arith.constant 1 : index
    %get3A_5 = arith.constant 0 : index
    %get3A_6 = arith.constant 0 : index
    %get3A_7 = vector.load %arg1[%get3A_4, %get3A_5, %get3A_6] : memref<2x1000x128xf32, #tpu.memory_space<vmem>>, vector<1x1000x128xf32>
    %get3A_8 = vector.shape_cast %get3A_7 : vector<1x1000x128xf32> to vector<1000x128xf32>
    %add3A = arith.addf %get3A_3, %get3A_8 : vector<1000x128xf32>
    %get3A_9 = arith.constant 0 : index
    %get3A_10 = arith.constant 0 : index
    %get3A_11 = vector.load %arg2[%get3A_9, %get3A_10] : memref<1000x128xf32, #tpu.memory_space<vmem>>, vector<1000x1xf32>
    %mul3A = vector.broadcast %get3A_11 : vector<1000x1xf32> to vector<1000x128xf32>
    %mul3A_12 = arith.mulf %add3A, %mul3A : vector<1000x128xf32>
    %get3A_13 = arith.constant 0 : index
    %get3A_14 = arith.constant 0 : index
    %get3A_15 = vector.load %arg3[%get3A_13, %get3A_14] : memref<1000x128xf32, #tpu.memory_space<vmem>>, vector<1000x128xf32>
    %add3A_16 = arith.addf %mul3A_12, %get3A_15 : vector<1000x128xf32>
    %ge3A = arith.constant 0.000000e+00 : f32
    %ge3A_17 = vector.broadcast %ge3A : f32 to vector<1000x128xf32>
    %ge3A_18 = arith.cmpf oge, %add3A_16, %ge3A_17 : vector<1000x128xf32>
    %mul3A_19 = arith.constant 2.500000e-01 : f32
    %mul3A_20 = vector.broadcast %mul3A_19 : f32 to vector<1000x128xf32>
    %mul3A_21 = arith.mulf %mul3A_20, %add3A_16 : vector<1000x128xf32>
    %select_n3A = arith.select %ge3A_18, %add3A_16, %mul3A_21 : vector<1000x128xi1>, vector<1000x128xf32>
    %mul3A_22 = arith.constant 1000 : i32
    %mul3A_23 = arith.muli %arg0, %mul3A_22 : i32
    %iota3A = tpu.iota {dimensions = array<i32: 0>} : vector<1000x128xi32>
    %add3A_24 = vector.broadcast %mul3A_23 : i32 to vector<1000x128xi32>
    %add3A_25 = arith.addi %add3A_24, %iota3A : vector<1000x128xi32>
    %get3A_26 = arith.constant 0 : index
    %get3A_27 = memref.load %arg5[%get3A_26] : memref<1xi32, #tpu.memory_space<smem>>
    %ne3A = arith.constant 0 : i32
    %ne3A_28 = arith.cmpi ne, %get3A_27, %ne3A : i32
    %get3A_29 = arith.constant 0 : index
    %get3A_30 = memref.load %arg4[%get3A_29] : memref<1xi32, #tpu.memory_space<smem>>
    %lt3A = vector.broadcast %get3A_30 : i32 to vector<1000x128xi32>
    %lt3A_31 = arith.cmpi slt, %add3A_25, %lt3A : vector<1000x128xi32>
    %or3A = vector.broadcast %ne3A_28 : i1 to vector<1000x128xi1>
    %or3A_32 = arith.ori %or3A, %lt3A_31 : vector<1000x128xi1>
    %jit3A = arith.constant 0.000000e+00 : f32
    %broadcast_in_dim3A = vector.broadcast %jit3A : f32 to vector<1000x128xf32>
    %select_n3A_33 = arith.select %or3A_32, %select_n3A, %broadcast_in_dim3A : vector<1000x128xi1>, vector<1000x128xf32>
    %swap3A = arith.constant 0 : index
    %swap3A_34 = arith.constant 0 : index
    %swap3A_35 = vector.load %arg6[%swap3A, %swap3A_34] : memref<1000x128xf32, #tpu.memory_space<vmem>>, vector<1000x128xf32>
    tpu.vector_store %arg6[%swap3A, %swap3A_34], %select_n3A_33 {strides = array<i32>} : memref<1000x128xf32, #tpu.memory_space<vmem>>, vector<1000x128xf32>,
    return
  }
  func.func @transform_0(%arg0: i32) -> (i32, i32, i32) {
    %c0_i32 = arith.constant 0 : i32
    %c0_i32_0 = arith.constant 0 : i32
    %c0_i32_1 = arith.constant 0 : i32
    return %c0_i32, %arg0, %c0_i32_0 : i32, i32, i32
  }
  func.func @transform_1(%arg0: i32) -> (i32, i32) {
    %c0_i32 = arith.constant 0 : i32
    %c0_i32_0 = arith.constant 0 : i32
    return %arg0, %c0_i32 : i32, i32
  }
  func.func @transform_2(%arg0: i32) -> (i32, i32) {
    %c0_i32 = arith.constant 0 : i32
    %c0_i32_0 = arith.constant 0 : i32
    return %arg0, %c0_i32 : i32, i32
  }
  func.func @transform_3(%arg0: i32) -> i32 {
    %c0_i32 = arith.constant 0 : i32
    %c0_i32_0 = arith.constant 0 : i32
    return %c0_i32 : i32
  }
  func.func @transform_4(%arg0: i32) -> i32 {
    %c0_i32 = arith.constant 0 : i32
    %c0_i32_0 = arith.constant 0 : i32
    return %c0_i32 : i32
  }
  func.func @transform_5(%arg0: i32) -> (i32, i32) {
    %c0_i32 = arith.constant 0 : i32
    %c0_i32_0 = arith.constant 0 : i32
    return %arg0, %c0_i32 : i32, i32
  }
}

</mosaic_0001>

<sc_bundles>
// kernel: kernel.11.cloned.1.call-start
scs
__scs_entry_jumppad:
0x0: {  	(pc) =	sbr.rel $0x88, $3  }
0x1: {  	(tag) =	ssettag $0x0;
	lr =	simm.s32 $0x1  }
0x2: {  	[smem:$0x3F94] =	sst lr;
	_ =	strace $0xD0000000  }
0x3: {  	_ = 	snop  }
0x4: {  	_ = 	snop  }
0x5: {  	_ = 	snop  }
0x6: {  	_ = 	snop  }
0x7: {  	_ = 	snop  }
__scs_overlays_trampoline_lowered:
0x8: {  	[smem:$0x3FA3] =	sst s0  }
0x9: {  	[smem:$0x3FA4] =	sst s1  }
0xa: {  	[smem:$0x3FA5] =	sst s2  }
0xb: {  	[smem:$0x3FA6] =	sst s3  }
0xc: {  	[smem:$0x3FA7] =	sst s4  }
0xd: {  	[smem:$0x3FA8] =	sst s5  }
0xe: {  	[smem:$0x3FA9] =	sst s6  }
0xf: {  	[smem:$0x3FAA] =	sst s7  }
0x10: {  	[smem:$0x3FAB] =	sst s8  }
0x11: {  	[smem:$0x3FAC] =	sst s9;
	s0 =	simm.s32 @!p0 $0x0  }
0x12: {  	s1 =	sld [smem:$0x3F92];
	s0 =	simm.s32 @p0 $0x1  }
0x13: {  	[smem:$0x3FAD] =	sst s0;
	s0 =	simm.s32 @!p1 $0x0  }
0x14: {  	s2 =	sld [smem:$0x3F91];
	s0 =	simm.s32 @p1 $0x1  }
0x15: {  	[smem:$0x3FAE] =	sst s0;
	s0 =	simm.s32 @!p2 $0x0  }
0x16: {  	s3 =	sld [smem:$0x3FDB];
	s0 =	simm.s32 @p2 $0x1  }
0x17: {  	s4 =	simm.s32 $0x1BF5;
	[smem:$0x3FB0] =	sst s0  }
0x18: {  	s0 =	sld [smem:$0x3F93];
	_ =	swait.ge [sflag:s4], $0x0  }
0x19: {  	s7 =	sld [smem:$0x3F94]  }
0x1a: {  	s8 =	sadd.s32 $0xFFFFE003, lr  }
0x1b: {  	s9 =	sadd.s32 $0xFFFFFEF7, lr;
	s5 =	simm.s32 $0xFFFFFFFF;
	p2 =	slt.u32 s8, $0xFFFFF086  }
0x1c: {  	p1 =	slt.u32 s9, $0xF7A;
	s5 =	simm.s32 @!p2 $0x0  }
0x1d: {  	s5 =	simm.s32 @p1 $0x1;
	p0 =	seq.s32 s7, s2  }
0x1e: {  	s7 =	smul.u32 @!p0 $0xF7A, s2;
	p2 =	seq.s32 @!p0 s5, $0x0  }
0x1f: {  	s9 =	smul.u32 $0xF7A, s1;
	s8 =	simm.s32 @!p0 $0x1BF5;
	p2 =	por !p2, p0  }
0x20: {  	[sflag:s8] =	ssyncset.s32 @!p0 $0xFFFFF086;
	s6 =	sadd.s32 @!p0 s3, s7;
	s7 =	simm.s32 @!p0 $0x108  }
0x21: {  	s3 =	sadd.s32 s3, s9;
	s6 =	sadd.s32 @!p0 $0x88, s6;
	s7 =	simm.s32 @p2 $0x1082  }
0x22: {  	[simem:s7], [sflag:s8] =	dma.local @!p0 [hbm:s6], $0xF7A  }
0x23: {  	s9 =	sor.u32 $0xD0000000, s2;
	s6 =	simm.s32 $0x108;
	_ =	swait.ge @!p0 [sflag:s8], $0x0  }
0x24: {  	s3 =	sadd.s32 $0x88, s3;
	s6 =	simm.s32 @!p1 $0x1082;
	[sflag:s4] =	ssyncset.s32 $0xFFFFF086  }
0x25: {  	[simem:s6], [sflag:s4] =	dma.local [hbm:s3], $0xF7A  }
0x26: {  	[smem:$0x3F94] =	sst s1;
	(tag) =	ssettag s2;
	_ =	strace s9  }
0x27: {  	s1 =	sld [smem:$0x3FA4]  }
0x28: {  	s2 =	sld [smem:$0x3FA5]  }
0x29: {  	s4 =	sld [smem:$0x3FA7]  }
0x2a: {  	p0 =	seq.s32 s5, $0x0;
	s5 =	sld [smem:$0x3FA8]  }
0x2b: {  	s6 =	sld [smem:$0x3FA9]  }
0x2c: {  	s7 =	sld [smem:$0x3FAA]  }
0x2d: {  	s3 =	simm.s32 $0x108;
	s8 =	sld [smem:$0x3FAB]  }
0x2e: {  	s3 =	simm.s32 @!p0 $0x1082;
	s9 =	sld [smem:$0x3FAC]  }
0x2f: {  	lr =	sadd.s32 s0, s3;
	s0 =	sld [smem:$0x3FA3]  }
0x30: {  	s3 =	sld [smem:$0x3FA6]  }
0x31: {  	[smem:$0x3FAF] =	sst s10  }
0x32: {  	s10 =	sld [smem:$0x3FAD];
	_ =	sdelay $0x3  }
0x33: {  	p0 =	seq.s32 s10, $0x1;
	s10 =	sld [smem:$0x3FAF];
	_ =	sdelay $0x3  }
0x34: {  	[smem:$0x3FAF] =	sst s10  }
0x35: {  	s10 =	sld [smem:$0x3FAE];
	_ =	sdelay $0x3  }
0x36: {  	p1 =	seq.s32 s10, $0x1;
	s10 =	sld [smem:$0x3FAF];
	_ =	sdelay $0x3  }
0x37: {  	[smem:$0x3FAF] =	sst s10  }
0x38: {  	s10 =	sld [smem:$0x3FB0]  }
0x39: {  	_ = 	snop;
	(pc) =	sbr.ind lr, $3  }
0x3a: {  	_ = 	snop  }
0x3b: {  	_ = 	snop  }
0x3c: {  	p2 =	seq.s32 s10, $0x1;
	s10 =	sld [smem:$0x3FAF]  }
0x3d: {  	_ =	shalt  }
0x3e: {  	_ =	shalt  }
0x3f: {  	_ =	shalt  }
0x40: {  	_ =	shalt  }
0x41: {  	_ =	shalt  }
0x42: {  	_ =	shalt  }
0x43: {  	_ =	shalt  }
0x44: {  	_ =	shalt  }
0x45: {  	_ =	shalt  }
0x46: {  	_ =	shalt  }
0x47: {  	_ =	shalt  }
0x48: {  	_ =	shalt  }
0x49: {  	_ =	shalt  }
0x4a: {  	_ =	shalt  }
0x4b: {  	_ =	shalt  }
0x4c: {  	_ =	shalt  }
0x4d: {  	_ =	shalt  }
0x4e: {  	_ =	shalt  }
0x4f: {  	_ =	shalt  }
0x50: {  	_ =	shalt  }
0x51: {  	_ =	shalt  }
0x52: {  	_ =	shalt  }
0x53: {  	_ =	shalt  }
0x54: {  	_ =	shalt  }
0x55: {  	_ =	shalt  }
0x56: {  	_ =	shalt  }
0x57: {  	_ =	shalt  }
0x58: {  	_ =	shalt  }
0x59: {  	_ =	shalt  }
0x5a: {  	_ =	shalt  }
0x5b: {  	_ =	shalt  }
0x5c: {  	_ =	shalt  }
0x5d: {  	_ =	shalt  }
0x5e: {  	_ =	shalt  }
0x5f: {  	_ =	shalt  }
0x60: {  	_ =	shalt  }
0x61: {  	_ =	shalt  }
0x62: {  	_ =	shalt  }
0x63: {  	_ =	shalt  }
0x64: {  	_ =	shalt  }
0x65: {  	_ =	shalt  }
0x66: {  	_ =	shalt  }
0x67: {  	_ =	shalt  }
0x68: {  	_ =	shalt  }
0x69: {  	_ =	shalt  }
0x6a: {  	_ =	shalt  }
0x6b: {  	_ =	shalt  }
0x6c: {  	_ =	shalt  }
0x6d: {  	_ =	shalt  }
0x6e: {  	_ =	shalt  }
0x6f: {  	_ =	shalt  }
0x70: {  	_ =	shalt  }
0x71: {  	_ =	shalt  }
0x72: {  	_ =	shalt  }
0x73: {  	_ =	shalt  }
0x74: {  	_ =	shalt  }
0x75: {  	_ =	shalt  }
0x76: {  	_ =	shalt  }
0x77: {  	_ =	shalt  }
0x78: {  	_ =	shalt  }
0x79: {  	_ =	shalt  }
0x7a: {  	_ =	shalt  }
0x7b: {  	_ =	shalt  }
0x7c: {  	_ =	shalt  }
0x7d: {  	_ =	shalt  }
0x7e: {  	_ =	shalt  }
0x7f: {  	_ =	shalt  }
0x80: {  	_ =	shalt  }
0x81: {  	_ =	shalt  }
0x82: {  	_ =	shalt  }
0x83: {  	_ =	shalt  }
0x84: {  	_ =	shalt  }
0x85: {  	_ =	shalt  }
0x86: {  	_ =	shalt  }
0x87: {  	_ =	shalt  }
.Lfunc_end0:
.L_simem_size_0:
called_computation_lowered:
.L_overlay_start_0:
0x88: {  	s2 =	sld [smem:$0x3FD9]  }
0x89: {  	s3 =	sld [smem:$0x3FFE];
	_ =	sdelay $0x1  }
0x8a: {  	s1 =	srdreg.scid  }
0x8b: {  	s0 =	sand.u32 $0x1, s1  }
0x8c: {  	s17 =	sshll.u32 s0, $0xA;
	s2 =	sadd.s32 s3, s2  }
0x8d: {  	s2 =	sadd.s32 s2, s17  }
0x8e: {  	[smem:$0x3FBB] =	sst s2  }
0x8f: {  	_ = 	snop  }
0x90: {  	s2 =	sld [smem:$0x3FD0];
	(tm) =	ssettm $0x1  }
0x91: {  	s18 =	sld [smem:$0x3FFB];
	_ =	sdelay $0x3  }
0x92: {  	_ =	strace s18  }
0x93: {  	s3 =	sld [smem:$0x3FFC];
	_ =	sdelay $0x3  }
0x94: {  	_ =	strace s3  }
0x95: {  	s3 =	sld [smem:$0x3FFD];
	_ =	sdelay $0x3  }
0x96: {  	_ =	strace s3  }
0x97: {  	_ =	strace $0x8FFFFFFF  }
0x98: {  	s19 =	sld [smem:$0x3FDB];
	_ =	sdelay $0x1  }
0x99: {  	s4 =	simm.s32 $_scs_section_size  }
0x9a: {  	s5 =	simm.s32 $_size__tile_overlayer_lowered;
	s6 =	simm.s32 $_tile_overlayer_lowered  }
0x9b: {  	s22 =	simm.s32 $0x1BFF;
	s21 =	sshll.u32 s6, $0x1;
	s3 =	sadd.s32 s4, s19  }
0x9c: {  	s7 =	simm.s32 $0x0;
	s20 =	sshll.u32 s5, $0x1;
	s5 =	sadd.s32 s21, s3  }
0x9d: {  	[timem:s7], [sflag:s22] =	dma.local [hbm:s5], s20  }
0x9e: {  	_ =	swait.ge [sflag:s22], s20  }
0x9f: {  	s4 =	ssub.s32 $0x0, s20;
	[sflag:s22] =	ssyncset.done $0x0  }
0xa0: {  	[sflag:s22] =	ssyncadd.s32 s4;
	_ =	sdelay $0x1  }
0xa1: {  	s23 =	simm.s32 $0x1B8B  }
0xa2: {  	_ =	swait.ge [sflag:s23], $0x1  }
0xa3: {  	[sflag:s23] =	ssyncset.done $0x0  }
0xa4: {  	s25 =	simm.s32 $0x1B8E;
	s24 =	sld [smem:$0x3FFE];
	[sflag:s23] =	ssyncadd.s32 $0xFFFFFFFF  }
0xa5: {  	s26 =	simm.s32 $execute0_lowered;
	[smem:$0x3FD2] =	sst s25  }
0xa6: {  	s5 =	sshll.u32 s26, $0x1;
	_ =	strace $0x80000046;
	[dreg:$0x1] =	wrdreg $0xFFFFFFFF  }
0xa7: {  	s28 =	simm.s32 $_size_execute0_lowered;
	s3 =	sadd.s32 s3, s5;
	[dreg:$0x0] =	wrdreg $0x0  }
0xa8: {  	s5 =	sshll.u32 s28, $0x1;
	[dreg:$0x2] =	wrdreg s3  }
0xa9: {  	[dreg:$0x3] =	wrdreg s5  }
0xaa: {  	[dreg:$0x4] =	wrdreg $0xC0  }
0xab: {  	_ =	task [dreg:s7], $0x5FFFF  }
0xac: {  	[dreg:$0x1] =	wrdreg $0xFFFFFFFF  }
0xad: {  	[dreg:$0x0] =	wrdreg $0x60  }
0xae: {  	[dreg:$0x2] =	wrdreg s2  }
0xaf: {  	[dreg:$0x3] =	wrdreg s24  }
0xb0: {  	[dreg:$0x4] =	wrdreg $0xBE000  }
0xb1: {  	[dreg:$0x5] =	wrdreg $0x9  }
0xb2: {  	_ =	task.clear_ibuf [dreg:s7], $0x6FFFF;
	_ =	strace $0x90000046  }
0xb3: {  	s29 =	simm.s32 $0x9;
	_ =	strace $0x80000048  }
0xb4: {  	_ =	swait.ge [sflag:s29], $0x1  }
0xb5: {  	[sflag:s29] =	ssyncadd.s32 $0xFFFFFFFF  }
0xb6: {  	_ =	strace $0x90000048  }
0xb7: {  	_ =	sfence  }
0xb8: {  	s30 =	sld [smem:$0x0];
	_ =	sdelay $0x2  }
0xb9: {  	s31 =	sshll.u32 s1, $0xD;
	s1 =	sshrl.u32 s1, $0x2  }
0xba: {  	s3 =	sand.u32 $0x4000, s31;
	s1 =	sadd.s32 s1, s30  }
0xbb: {  	s0 =	sor.u32 s3, s0;
	s1 =	sshll.u32 s1, $0x11  }
0xbc: {  	s0 =	sor.u32 s1, s0  }
0xbd: {  	s0 =	sadd.s32 $0x8F2B, s0  }
0xbe: {  	[sflag:s0] =	ssyncadd.remote.s32 $0x1  }
0xbf: {  	_ =	sfence.sel $0xFFFF  }
0xc0: {  	[dreg:$0x0] =	wrdreg $0xFFFFFFFF;
	(pc) =	sbr.abs _section_cstart, $3  }
0xc1: {  	[dreg:$0x1] =	wrdreg $0xFFFFFFFF  }
0xc2: {  	_ =	task.clear_ibuf [dreg:s7], $0x2FFFF;
	_ =	strace $0x9FFFFFFF  }
0xc3: {  	(tm) =	ssettm $0x7FFFFFFF  }
tec
execute0_lowered:
.L_overlay_start_1:
0x0: {  	(tag) =	ssettag $0x1  }
0x1: {  	s1 =	rddreg [dreg:$0x0]  }
0x2: {  	s0 =	rddreg [dreg:$0x1]  }
0x3: {  	s2 =	rddreg [dreg:$0x2];
	s3 =	simm.s32 $0x0  }
0x4: {  	s4 =	srdreg.scid;
	s12 =	stileid.u32;
	s28 =	simm.s32 $0x170  }
0x5: {  	s29 =	simm.s32 $0x600;
	s30 =	simm.s32 $0x3;
	s31 =	simm.s32 $0x2  }
0x6: {  	[smem:$0x7FF] =	sst s3;
	s4 =	sand.u32 $0x1, s4;
	s7 =	smul.u32 $0x2700, s12  }
0x7: {  	s5 =	sadd.s32 $0x3C00, s0;
	s16 =	sadd.s32 $0x3F600, s0;
	s18 =	smul.u32 $0x4E000, s12  }
0x8: {  	s14 =	sadd.s32 $0x138000, s2;
	s15 =	sadd.s32 $0x3F000, s0;
	p0 =	sne.s32 s12, $0xF  }
0x9: {  	s23 =	sshll.u32 s12, $0x6;
	_ =	strace $0x80000047;
	s17 =	smul.u32 $0x138800, s4  }
0xa: {  	s6 =	sshll.u32 s4, $0x4;
	s9 =	ssub.s32 $0x2, s4;
	s22 =	smul.u32 $0x28400, s4  }
0xb: {  	s4 =	smul.u32 $0x27100, s4;
	s8 =	sor.u32 s12, s6;
	s6 =	sadd.s32 $0xDE00, s0  }
0xc: {  	s10 =	sadd.s32 s7, s0;
	s11 =	sshrl.u32 s9, $0x1;
	s8 =	smul.u32 $0x2840, s8  }
0xd: {  	s9 =	ssub.s32 s9, s11;
	s11 =	sshrl.u32 s18, $0x2;
	s10 =	sadd.s32 $0x18000, s10  }
0xe: {  	s18 =	smul.u32 $0x2840, s12;
	s24 =	sshrl.u32 s17, $0x3;
	s4 =	sadd.s32 s7, s4  }
0xf: {  	s21 =	sadd.s32 s11, s2;
	[dreg:$0x9] =	wrdreg s10;
	s0 =	sadd.s32 s16, s24  }
0x10: {  	s16 =	sadd.s32 s16, s4;
	s24 =	simm.s32 $0x480;
	s8 =	sshrl.u32 s8, $0x3  }
0x11: {  	[dreg:$0x8] =	wrdreg s21;
	s17 =	sadd.s32 $0x27000, s0;
	s13 =	sadd.s32 s5, s8  }
0x12: {  	s19 =	sadd.s32 s6, s8;
	s8 =	sadd.s32 $0x2E, s8;
	[dreg:$0x4] =	wrdreg s13  }
0x13: {  	s0 =	simm.s32 $0x0;
	[dreg:$0x5] =	wrdreg s19;
	s20 =	sadd.s32 s5, s8  }
0x14: {  	s8 =	sadd.s32 s6, s8;
	s13 =	sor.u32 $0x1C04, s23;
	[dreg:$0x6] =	wrdreg s20  }
0x15: {  	s23 =	simm.s32 $0x300;
	[dreg:$0x7] =	wrdreg s8;
	s8 =	sadd.s32 s18, s22  }
0x16: {  	s18 =	smax.u32 s9, $0x1;
	s22 =	simm.s32 $0x180;
	s25 =	sadd.s32 $0x450, s8  }
0x17: {  	s21 =	sadd.s32 $0x2E0, s8;
	s26 =	sshrl.u32 s25, $0x3;
	s25 =	simm.s32 $0x4  }
0x18: {  	s19 =	sadd.s32 s26, s6;
	s20 =	sadd.s32 s26, s5;
	s26 =	simm.s32 $0x1  }
.LBB2_1:
0x19: {  	s4 =	rddreg [dreg:$0x4]  }
0x1a: {  	s7 =	rddreg [dreg:$0x5]  }
0x1b: {  	s8 =	rddreg [dreg:$0x6]  }
0x1c: {  	[tilespmem:s3], [sflag:$0x1] =	stream.linear.gather [hbm4b:s4+s3], $0x170, $0x38;
	[tilespmem:$0x1F840] =	vst v63  }
0x1d: {  	s9 =	rddreg [dreg:$0x7]  }
0x1e: {  	[tilespmem:s22], [sflag:$0x1] =	stream.linear.gather [hbm4b:s7+s3], $0x170, $0x38;
	[tilespmem:$0x1F840] =	vst v63  }
0x1f: {  	s10 =	rddreg [dreg:$0x8]  }
0x20: {  	[tilespmem:s23], [sflag:$0x2] =	stream.linear.gather [hbm4b:s8+s3], $0x170, $0x38;
	[tilespmem:$0x1F840] =	vst v63  }
0x21: {  	s4 =	sshrl.u32 s10, $0x3;
	s7 =	rddreg [dreg:$0x9]  }
0x22: {  	[tilespmem:s24], [sflag:$0x2] =	stream.linear.gather [hbm4b:s9+s3], $0x170, $0x38;
	[tilespmem:$0x1F840] =	vst v63  }
0x23: {  	[spmem:s4], [sflag:s13] =	dma.local [hbm:s7], $0x2700  }
0x24: {  	_ =	swait.ge [sflag:s25], $0x2700  }
0x25: {  	[sflag:s25] =	ssyncset.done $0x0  }
0x26: {  	s8 =	simm.s32 @!p0 $0x4;
	s7 =	sshrl.u32 @!p0 s14, $0x3;
	[sflag:s25] =	ssyncadd.s32 $0xFFFFD900  }
0x27: {  	[spmem:s7], [sflag:s13] =	dma.local @!p0 [hbm:s15], $0x480  }
0x28: {  	_ =	swait.ge @!p0 [sflag:s8], $0x480  }
0x29: {  	[sflag:s8] =	ssyncset.done @!p0 $0x0  }
0x2a: {  	[sflag:s8] =	ssyncadd.s32 @!p0 $0xFFFFFB80  }
0x2b: {  	[bflag:$0x0] =	sbarrier.arrive $0xFFFF  }
0x2c: {  	_ =	swait.ge [sflag:s26], $0x170  }
0x2d: {  	[sflag:s26] =	ssyncset.done $0x0  }
0x2e: {  	[sflag:s26] =	ssyncadd.s32 $0xFFFFFE90  }
0x2f: {  	_ =	swait.ge [sflag:s26], $0x170  }
0x30: {  	[sflag:s26] =	ssyncset.done $0x0  }
0x31: {  	[sflag:s26] =	ssyncadd.s32 $0xFFFFFE90  }
0x32: {  	[tilespmem:s29], [sflag:$0x3] =	stream.indirect.gather [hbm4b:s1+s28], $0x80, s3, s28, $0xb8;
	[tilespmem:$0x1F840] =	vst v63  }
0x33: {  	_ =	swait.ge [sflag:s30], $0xB800  }
0x34: {  	[sflag:s30] =	ssyncset.done $0x0  }
0x35: {  	[sflag:s30] =	ssyncadd.s32 $0xFFFF4800  }
0x36: {  	[spmem:s2] =	stream.indirect.scatter.add.f32 [tilespmem:s29], [sflag:$0x4], $0x80, s22, s28, $0xb8;
	[tilespmem:$0x1F840] =	vst v63  }
0x37: {  	_ =	swait.ge [sflag:s25], $0xB800  }
0x38: {  	s11 =	sshrl.u32 s21, $0x3;
	[sflag:s25] =	ssyncset.done $0x0  }
0x39: {  	s9 =	sadd.s32 s5, s11;
	[sflag:s25] =	ssyncadd.s32 $0xFFFF4800  }
0x3a: {  	[tilespmem:s3], [sflag:$0x1] =	stream.linear.gather [hbm4b:s9+s3], $0x170, $0x38;
	[tilespmem:$0x1F840] =	vst v63  }
0x3b: {  	s8 =	sadd.s32 s6, s11  }
0x3c: {  	[tilespmem:s22], [sflag:$0x1] =	stream.linear.gather [hbm4b:s8+s3], $0x170, $0x38;
	[tilespmem:$0x1F840] =	vst v63  }
0x3d: {  	_ =	swait.ge [sflag:s31], $0x170  }
0x3e: {  	[sflag:s31] =	ssyncset.done $0x0  }
0x3f: {  	[sflag:s31] =	ssyncadd.s32 $0xFFFFFE90  }
0x40: {  	_ =	swait.ge [sflag:s31], $0x170  }
0x41: {  	[sflag:s31] =	ssyncset.done $0x0  }
0x42: {  	[sflag:s31] =	ssyncadd.s32 $0xFFFFFE90  }
0x43: {  	[tilespmem:s29], [sflag:$0x3] =	stream.indirect.gather [hbm4b:s1+s28], $0x80, s23, s28, $0xb8;
	[tilespmem:$0x1F840] =	vst v63  }
0x44: {  	_ =	swait.ge [sflag:s30], $0xB800  }
0x45: {  	[sflag:s30] =	ssyncset.done $0x0  }
0x46: {  	[sflag:s30] =	ssyncadd.s32 $0xFFFF4800  }
0x47: {  	[spmem:s2] =	stream.indirect.scatter.add.f32 [tilespmem:s29], [sflag:$0x4], $0x80, s24, s28, $0xb8;
	[tilespmem:$0x1F840] =	vst v63  }
0x48: {  	_ =	swait.ge [sflag:s25], $0xB800  }
0x49: {  	s12 =	sadd.s32 $0x0, s20;
	s10 =	sadd.s32 $0x0, s19;
	[sflag:s25] =	ssyncset.done $0x0  }
0x4a: {  	s9 =	sadd.s32 $0x2E0, s21;
	s8 =	simm.s32 $0x5C;
	[sflag:s25] =	ssyncadd.s32 $0xFFFF4800  }
0x4b: {  	[tilespmem:s23], [sflag:$0x2] =	stream.linear.gather [hbm4b:s12+s3], $0x170, $0x38;
	[tilespmem:$0x1F840] =	vst v63  }
.LBB2_2:
0x4c: {  	[tilespmem:s24], [sflag:$0x2] =	stream.linear.gather [hbm4b:s10+s3], $0x170, $0x38;
	[tilespmem:$0x1F840] =	vst v63  }
0x4d: {  	s10 =	smov.u32 s8  }
0x4e: {  	p1 =	sne.s32 s8, $0x450;
	s8 =	sadd.s32 $0x5C, s8;
	_ =	swait.ge [sflag:s26], $0x170  }
0x4f: {  	[sflag:s26] =	ssyncset.done $0x0  }
0x50: {  	[sflag:s26] =	ssyncadd.s32 $0xFFFFFE90  }
0x51: {  	_ =	swait.ge [sflag:s26], $0x170  }
0x52: {  	[sflag:s26] =	ssyncset.done $0x0  }
0x53: {  	[sflag:s26] =	ssyncadd.s32 $0xFFFFFE90  }
0x54: {  	[tilespmem:s29], [sflag:$0x3] =	stream.indirect.gather [hbm4b:s1+s28], $0x80, s3, s28, $0xb8;
	[tilespmem:$0x1F840] =	vst v63  }
0x55: {  	_ =	swait.ge [sflag:s30], $0xB800  }
0x56: {  	[sflag:s30] =	ssyncset.done $0x0  }
0x57: {  	[sflag:s30] =	ssyncadd.s32 $0xFFFF4800  }
0x58: {  	[spmem:s2] =	stream.indirect.scatter.add.f32 [tilespmem:s29], [sflag:$0x4], $0x80, s22, s28, $0xb8;
	[tilespmem:$0x1F840] =	vst v63  }
0x59: {  	_ =	swait.ge [sflag:s25], $0xB800  }
0x5a: {  	s11 =	sshrl.u32 s9, $0x3;
	[sflag:s25] =	ssyncset.done $0x0  }
0x5b: {  	s12 =	sadd.s32 s5, s11;
	[sflag:s25] =	ssyncadd.s32 $0xFFFF4800  }
0x5c: {  	[tilespmem:s3], [sflag:$0x1] =	stream.linear.gather [hbm4b:s12+s3], $0x170, $0x38;
	[tilespmem:$0x1F840] =	vst v63  }
0x5d: {  	s11 =	sadd.s32 s6, s11  }
0x5e: {  	[tilespmem:s22], [sflag:$0x1] =	stream.linear.gather [hbm4b:s11+s3], $0x170, $0x38;
	[tilespmem:$0x1F840] =	vst v63  }
0x5f: {  	_ =	swait.ge [sflag:s31], $0x170  }
0x60: {  	[sflag:s31] =	ssyncset.done $0x0  }
0x61: {  	[sflag:s31] =	ssyncadd.s32 $0xFFFFFE90  }
0x62: {  	_ =	swait.ge [sflag:s31], $0x170  }
0x63: {  	[sflag:s31] =	ssyncset.done $0x0  }
0x64: {  	[sflag:s31] =	ssyncadd.s32 $0xFFFFFE90  }
0x65: {  	[tilespmem:s29], [sflag:$0x3] =	stream.indirect.gather [hbm4b:s1+s28], $0x80, s23, s28, $0xb8;
	[tilespmem:$0x1F840] =	vst v63  }
0x66: {  	_ =	swait.ge [sflag:s30], $0xB800  }
0x67: {  	[sflag:s30] =	ssyncset.done $0x0  }
0x68: {  	[sflag:s30] =	ssyncadd.s32 $0xFFFF4800  }
0x69: {  	[spmem:s2] =	stream.indirect.scatter.add.f32 [tilespmem:s29], [sflag:$0x4], $0x80, s24, s28, $0xb8;
	[tilespmem:$0x1F840] =	vst v63  }
.Ltmp0:
0x6a: {  	_ =	swait.ge [sflag:s25], $0xB800;
	(pc) =	sbr.rel @p1 .LBB2_2-.Ltmp0, $4  }
0x6b: {  	[sflag:s25] =	ssyncset.done $0x0  }
0x6c: {  	s11 =	sadd.s32 s10, s20;
	[sflag:s25] =	ssyncadd.s32 $0xFFFF4800  }
0x6d: {  	[tilespmem:s23], [sflag:$0x2] =	stream.linear.gather [hbm4b:s11+s3], $0x170, $0x38;
	[tilespmem:$0x1F840] =	vst v63  }
0x6e: {  	s9 =	sadd.s32 $0x2E0, s9;
	s10 =	sadd.s32 s10, s19  }
0x6f: {  	[tilespmem:s24], [sflag:$0x2] =	stream.linear.gather [hbm4b:s10+s3], $0x170, $0x38;
	[tilespmem:$0x1F840] =	vst v63  }
0x70: {  	_ =	swait.ge [sflag:s26], $0x170  }
0x71: {  	[sflag:s26] =	ssyncset.done $0x0  }
0x72: {  	[sflag:s26] =	ssyncadd.s32 $0xFFFFFE90  }
0x73: {  	_ =	swait.ge [sflag:s26], $0x170  }
0x74: {  	[sflag:s26] =	ssyncset.done $0x0  }
0x75: {  	[sflag:s26] =	ssyncadd.s32 $0xFFFFFE90  }
0x76: {  	[tilespmem:s29], [sflag:$0x3] =	stream.indirect.gather [hbm4b:s1+s28], $0x80, s3, s28, $0xb8;
	[tilespmem:$0x1F840] =	vst v63  }
0x77: {  	_ =	swait.ge [sflag:s30], $0xB800  }
0x78: {  	[sflag:s30] =	ssyncset.done $0x0  }
0x79: {  	[sflag:s30] =	ssyncadd.s32 $0xFFFF4800  }
0x7a: {  	[spmem:s2] =	stream.indirect.scatter.add.f32 [tilespmem:s29], [sflag:$0x4], $0x80, s22, s28, $0xb8;
	[tilespmem:$0x1F840] =	vst v63  }
0x7b: {  	_ =	swait.ge [sflag:s25], $0xB800  }
0x7c: {  	[sflag:s25] =	ssyncset.done $0x0  }
0x7d: {  	[sflag:s25] =	ssyncadd.s32 $0xFFFF4800  }
0x7e: {  	_ =	swait.ge [sflag:s31], $0x170  }
0x7f: {  	[sflag:s31] =	ssyncset.done $0x0  }
0x80: {  	[sflag:s31] =	ssyncadd.s32 $0xFFFFFE90  }
0x81: {  	_ =	swait.ge [sflag:s31], $0x170  }
0x82: {  	[sflag:s31] =	ssyncset.done $0x0  }
0x83: {  	[sflag:s31] =	ssyncadd.s32 $0xFFFFFE90  }
0x84: {  	[tilespmem:s29], [sflag:$0x3] =	stream.indirect.gather [hbm4b:s1+s28], $0x80, s23, s28, $0xb8;
	[tilespmem:$0x1F840] =	vst v63  }
0x85: {  	_ =	swait.ge [sflag:s30], $0xB800  }
0x86: {  	[sflag:s30] =	ssyncset.done $0x0  }
0x87: {  	[sflag:s30] =	ssyncadd.s32 $0xFFFF4800  }
0x88: {  	[spmem:s2] =	stream.indirect.scatter.add.f32 [tilespmem:s29], [sflag:$0x4], $0x80, s24, s28, $0xb8;
	[tilespmem:$0x1F840] =	vst v63  }
0x89: {  	_ =	swait.ge [sflag:s25], $0xB800  }
0x8a: {  	[sflag:s25] =	ssyncset.done $0x0  }
0x8b: {  	[sflag:s25] =	ssyncadd.s32 $0xFFFF4800  }
0x8c: {  	[bflag:$0x0] =	sbarrier.arrive $0xFFFF  }
0x8d: {  	[hbm:s16], [sflag:s13] =	dma.local [spmem:s4], $0x2700  }
0x8e: {  	s0 =	sadd.s32 $0x1, s0;
	_ =	swait.ge [sflag:s25], $0x2700  }
0x8f: {  	p1 =	sne.s32 s0, s18;
	[sflag:s25] =	ssyncset.done $0x0  }
.Ltmp1:
0x90: {  	s4 =	simm.s32 @!p0 $0x4;
	[sflag:s25] =	ssyncadd.s32 $0xFFFFD900;
	(pc) =	sbr.rel @p1 .LBB2_1-.Ltmp1, $4  }
0x91: {  	[hbm:s17], [sflag:s13] =	dma.local @!p0 [spmem:s7], $0x100  }
0x92: {  	_ =	swait.ge @!p0 [sflag:s4], $0x100  }
0x93: {  	[sflag:s4] =	ssyncset.done @!p0 $0x0  }
0x94: {  	[sflag:s4] =	ssyncadd.s32 @!p0 $0xFFFFFF00  }
0x95: {  	_ =	sfence.sel $0x180000  }
0x96: {  	[bflag:$0x0] =	sbarrier.arrive $0xFFFF  }
0x97: {  	_ =	strace $0x90000047  }
0x98: {  	s0 =	stileid.u32;
	[bflag:$0x2] =	sbarrier.arrive $0xFFFF  }
0x99: {  	p0 =	sne.s32 s0, $0x0;
	s0 =	rddreg [dreg:$0x3]  }
0x9a: {  	s0 =	sadd.s32 @!p0 $0x100000, s0  }
0x9b: {  	[sflag:s0] =	ssyncadd.tile.s32 @!p0 $0x1;
	_ =	shalt  }
.Lfunc_end2:
_tile_overlayer_lowered:
.L_overlay_start_2:
0x9c: {  	(tag) =	ssettag $0x2  }
0x9d: {  	s0 =	rddreg [dreg:$0x0];
	s2 =	stileid.u32  }
0x9e: {  	s1 =	rddreg [dreg:$0x1];
	p0 =	sne.s32 s2, $0x0  }
0x9f: {  	s3 =	rddreg [dreg:$0x2];
	[bflag:$0x3] =	sbarrier.arrive $0xFFFF;
	s2 =	simm.s32 @!p0 $0x1C04  }
0xa0: {  	[timem:s3], [sflag:s2] =	dma.local @!p0 [hbm:s0], s1  }
0xa1: {  	s0 =	simm.s32 @!p0 $0x4  }
0xa2: {  	_ =	swait.ge @!p0 [sflag:s0], s1  }
0xa3: {  	s1 =	ssub.s32 @!p0 $0x0, s1;
	[sflag:s0] =	ssyncset.done @!p0 $0x0  }
0xa4: {  	[sflag:s0] =	ssyncadd.s32 @!p0 s1  }
0xa5: {  	[bflag:$0x3] =	sbarrier.arrive $0xFFFF  }
0xa6: {  	_ =	shalt  }

// kernel: kernel.14.cloned.1.call-start
scs
__scs_entry_jumppad:
0x0: {  	(pc) =	sbr.rel $0x88, $3  }
0x1: {  	(tag) =	ssettag $0x0;
	lr =	simm.s32 $0x1  }
0x2: {  	[smem:$0x3F94] =	sst lr;
	_ =	strace $0xD0000000  }
0x3: {  	_ = 	snop  }
0x4: {  	_ = 	snop  }
0x5: {  	_ = 	snop  }
0x6: {  	_ = 	snop  }
0x7: {  	_ = 	snop  }
__scs_overlays_trampoline_lowered:
0x8: {  	[smem:$0x3FA3] =	sst s0  }
0x9: {  	[smem:$0x3FA4] =	sst s1  }
0xa: {  	[smem:$0x3FA5] =	sst s2  }
0xb: {  	[smem:$0x3FA6] =	sst s3  }
0xc: {  	[smem:$0x3FA7] =	sst s4  }
0xd: {  	[smem:$0x3FA8] =	sst s5  }
0xe: {  	[smem:$0x3FA9] =	sst s6  }
0xf: {  	[smem:$0x3FAA] =	sst s7  }
0x10: {  	[smem:$0x3FAB] =	sst s8  }
0x11: {  	[smem:$0x3FAC] =	sst s9;
	s0 =	simm.s32 @!p0 $0x0  }
0x12: {  	s1 =	sld [smem:$0x3F92];
	s0 =	simm.s32 @p0 $0x1  }
0x13: {  	[smem:$0x3FAD] =	sst s0;
	s0 =	simm.s32 @!p1 $0x0  }
0x14: {  	s2 =	sld [smem:$0x3F91];
	s0 =	simm.s32 @p1 $0x1  }
0x15: {  	[smem:$0x3FAE] =	sst s0;
	s0 =	simm.s32 @!p2 $0x0  }
0x16: {  	s3 =	sld [smem:$0x3FDB];
	s0 =	simm.s32 @p2 $0x1  }
0x17: {  	s4 =	simm.s32 $0x1BF5;
	[smem:$0x3FB0] =	sst s0  }
0x18: {  	s0 =	sld [smem:$0x3F93];
	_ =	swait.ge [sflag:s4], $0x0  }
0x19: {  	s7 =	sld [smem:$0x3F94]  }
0x1a: {  	s8 =	sadd.s32 $0xFFFFE003, lr  }
0x1b: {  	s9 =	sadd.s32 $0xFFFFFEF7, lr;
	s5 =	simm.s32 $0xFFFFFFFF;
	p2 =	slt.u32 s8, $0xFFFFF086  }
0x1c: {  	p1 =	slt.u32 s9, $0xF7A;
	s5 =	simm.s32 @!p2 $0x0  }
0x1d: {  	s5 =	simm.s32 @p1 $0x1;
	p0 =	seq.s32 s7, s2  }
0x1e: {  	s7 =	smul.u32 @!p0 $0xF7A, s2;
	p2 =	seq.s32 @!p0 s5, $0x0  }
0x1f: {  	s9 =	smul.u32 $0xF7A, s1;
	s8 =	simm.s32 @!p0 $0x1BF5;
	p2 =	por !p2, p0  }
0x20: {  	[sflag:s8] =	ssyncset.s32 @!p0 $0xFFFFF086;
	s6 =	sadd.s32 @!p0 s3, s7;
	s7 =	simm.s32 @!p0 $0x108  }
0x21: {  	s3 =	sadd.s32 s3, s9;
	s6 =	sadd.s32 @!p0 $0x88, s6;
	s7 =	simm.s32 @p2 $0x1082  }
0x22: {  	[simem:s7], [sflag:s8] =	dma.local @!p0 [hbm:s6], $0xF7A  }
0x23: {  	s9 =	sor.u32 $0xD0000000, s2;
	s6 =	simm.s32 $0x108;
	_ =	swait.ge @!p0 [sflag:s8], $0x0  }
0x24: {  	s3 =	sadd.s32 $0x88, s3;
	s6 =	simm.s32 @!p1 $0x1082;
	[sflag:s4] =	ssyncset.s32 $0xFFFFF086  }
0x25: {  	[simem:s6], [sflag:s4] =	dma.local [hbm:s3], $0xF7A  }
0x26: {  	[smem:$0x3F94] =	sst s1;
	(tag) =	ssettag s2;
	_ =	strace s9  }
0x27: {  	s1 =	sld [smem:$0x3FA4]  }
0x28: {  	s2 =	sld [smem:$0x3FA5]  }
0x29: {  	s4 =	sld [smem:$0x3FA7]  }
0x2a: {  	p0 =	seq.s32 s5, $0x0;
	s5 =	sld [smem:$0x3FA8]  }
0x2b: {  	s6 =	sld [smem:$0x3FA9]  }
0x2c: {  	s7 =	sld [smem:$0x3FAA]  }
0x2d: {  	s3 =	simm.s32 $0x108;
	s8 =	sld [smem:$0x3FAB]  }
0x2e: {  	s3 =	simm.s32 @!p0 $0x1082;
	s9 =	sld [smem:$0x3FAC]  }
0x2f: {  	lr =	sadd.s32 s0, s3;
	s0 =	sld [smem:$0x3FA3]  }
0x30: {  	s3 =	sld [smem:$0x3FA6]  }
0x31: {  	[smem:$0x3FAF] =	sst s10  }
0x32: {  	s10 =	sld [smem:$0x3FAD];
	_ =	sdelay $0x3  }
0x33: {  	p0 =	seq.s32 s10, $0x1;
	s10 =	sld [smem:$0x3FAF];
	_ =	sdelay $0x3  }
0x34: {  	[smem:$0x3FAF] =	sst s10  }
0x35: {  	s10 =	sld [smem:$0x3FAE];
	_ =	sdelay $0x3  }
0x36: {  	p1 =	seq.s32 s10, $0x1;
	s10 =	sld [smem:$0x3FAF];
	_ =	sdelay $0x3  }
0x37: {  	[smem:$0x3FAF] =	sst s10  }
0x38: {  	s10 =	sld [smem:$0x3FB0]  }
0x39: {  	_ = 	snop;
	(pc) =	sbr.ind lr, $3  }
0x3a: {  	_ = 	snop  }
0x3b: {  	_ = 	snop  }
0x3c: {  	p2 =	seq.s32 s10, $0x1;
	s10 =	sld [smem:$0x3FAF]  }
0x3d: {  	_ =	shalt  }
0x3e: {  	_ =	shalt  }
0x3f: {  	_ =	shalt  }
0x40: {  	_ =	shalt  }
0x41: {  	_ =	shalt  }
0x42: {  	_ =	shalt  }
0x43: {  	_ =	shalt  }
0x44: {  	_ =	shalt  }
0x45: {  	_ =	shalt  }
0x46: {  	_ =	shalt  }
0x47: {  	_ =	shalt  }
0x48: {  	_ =	shalt  }
0x49: {  	_ =	shalt  }
0x4a: {  	_ =	shalt  }
0x4b: {  	_ =	shalt  }
0x4c: {  	_ =	shalt  }
0x4d: {  	_ =	shalt  }
0x4e: {  	_ =	shalt  }
0x4f: {  	_ =	shalt  }
0x50: {  	_ =	shalt  }
0x51: {  	_ =	shalt  }
0x52: {  	_ =	shalt  }
0x53: {  	_ =	shalt  }
0x54: {  	_ =	shalt  }
0x55: {  	_ =	shalt  }
0x56: {  	_ =	shalt  }
0x57: {  	_ =	shalt  }
0x58: {  	_ =	shalt  }
0x59: {  	_ =	shalt  }
0x5a: {  	_ =	shalt  }
0x5b: {  	_ =	shalt  }
0x5c: {  	_ =	shalt  }
0x5d: {  	_ =	shalt  }
0x5e: {  	_ =	shalt  }
0x5f: {  	_ =	shalt  }
0x60: {  	_ =	shalt  }
0x61: {  	_ =	shalt  }
0x62: {  	_ =	shalt  }
0x63: {  	_ =	shalt  }
0x64: {  	_ =	shalt  }
0x65: {  	_ =	shalt  }
0x66: {  	_ =	shalt  }
0x67: {  	_ =	shalt  }
0x68: {  	_ =	shalt  }
0x69: {  	_ =	shalt  }
0x6a: {  	_ =	shalt  }
0x6b: {  	_ =	shalt  }
0x6c: {  	_ =	shalt  }
0x6d: {  	_ =	shalt  }
0x6e: {  	_ =	shalt  }
0x6f: {  	_ =	shalt  }
0x70: {  	_ =	shalt  }
0x71: {  	_ =	shalt  }
0x72: {  	_ =	shalt  }
0x73: {  	_ =	shalt  }
0x74: {  	_ =	shalt  }
0x75: {  	_ =	shalt  }
0x76: {  	_ =	shalt  }
0x77: {  	_ =	shalt  }
0x78: {  	_ =	shalt  }
0x79: {  	_ =	shalt  }
0x7a: {  	_ =	shalt  }
0x7b: {  	_ =	shalt  }
0x7c: {  	_ =	shalt  }
0x7d: {  	_ =	shalt  }
0x7e: {  	_ =	shalt  }
0x7f: {  	_ =	shalt  }
0x80: {  	_ =	shalt  }
0x81: {  	_ =	shalt  }
0x82: {  	_ =	shalt  }
0x83: {  	_ =	shalt  }
0x84: {  	_ =	shalt  }
0x85: {  	_ =	shalt  }
0x86: {  	_ =	shalt  }
0x87: {  	_ =	shalt  }
.Lfunc_end0:
.L_simem_size_0:
called_computation.1_lowered:
.L_overlay_start_0:
0x88: {  	s2 =	sld [smem:$0x3FD9]  }
0x89: {  	s3 =	sld [smem:$0x3FFE];
	_ =	sdelay $0x1  }
0x8a: {  	s1 =	srdreg.scid  }
0x8b: {  	s0 =	sand.u32 $0x1, s1  }
0x8c: {  	s16 =	sshll.u32 s0, $0xA;
	s2 =	sadd.s32 s3, s2  }
0x8d: {  	s2 =	sadd.s32 s2, s16  }
0x8e: {  	[smem:$0x3FBB] =	sst s2  }
0x8f: {  	_ = 	snop  }
0x90: {  	(tm) =	ssettm $0x1  }
0x91: {  	s17 =	sld [smem:$0x3FFB];
	_ =	sdelay $0x3  }
0x92: {  	_ =	strace s17  }
0x93: {  	s2 =	sld [smem:$0x3FFC];
	_ =	sdelay $0x3  }
0x94: {  	_ =	strace s2  }
0x95: {  	s2 =	sld [smem:$0x3FFD];
	_ =	sdelay $0x3  }
0x96: {  	_ =	strace s2  }
0x97: {  	_ =	strace $0x8FFFFFFF  }
0x98: {  	s18 =	sld [smem:$0x3FDB];
	_ =	sdelay $0x1  }
0x99: {  	s19 =	simm.s32 $_scs_section_size  }
0x9a: {  	s4 =	simm.s32 $_size__tile_overlayer_lowered;
	s5 =	simm.s32 $_tile_overlayer_lowered  }
0x9b: {  	s22 =	simm.s32 $0x1BFF;
	s21 =	sshll.u32 s5, $0x1;
	s2 =	sadd.s32 s19, s18  }
0x9c: {  	s6 =	simm.s32 $0x0;
	s20 =	sshll.u32 s4, $0x1;
	s4 =	sadd.s32 s21, s2  }
0x9d: {  	[timem:s6], [sflag:s22] =	dma.local [hbm:s4], s20  }
0x9e: {  	_ =	swait.ge [sflag:s22], s20  }
0x9f: {  	s3 =	ssub.s32 $0x0, s20;
	[sflag:s22] =	ssyncset.done $0x0  }
0xa0: {  	[sflag:s22] =	ssyncadd.s32 s3;
	_ =	sdelay $0x1  }
0xa1: {  	s23 =	simm.s32 $0x1B8B  }
0xa2: {  	_ =	swait.ge [sflag:s23], $0x1  }
0xa3: {  	[sflag:s23] =	ssyncset.done $0x0  }
0xa4: {  	s25 =	simm.s32 $0x1B8E;
	s24 =	sld [smem:$0x3FFE];
	[sflag:s23] =	ssyncadd.s32 $0xFFFFFFFF  }
0xa5: {  	s26 =	simm.s32 $execute0_lowered;
	[smem:$0x3FD2] =	sst s25  }
0xa6: {  	s4 =	sshll.u32 s26, $0x1;
	_ =	strace $0x80000049;
	[dreg:$0x1] =	wrdreg $0xFFFFFFFF  }
0xa7: {  	s28 =	simm.s32 $_size_execute0_lowered;
	s2 =	sadd.s32 s2, s4;
	[dreg:$0x0] =	wrdreg $0x0  }
0xa8: {  	s4 =	sshll.u32 s28, $0x1;
	[dreg:$0x2] =	wrdreg s2  }
0xa9: {  	[dreg:$0x3] =	wrdreg s4  }
0xaa: {  	[dreg:$0x4] =	wrdreg $0xC0  }
0xab: {  	_ =	task [dreg:s6], $0x5FFFF  }
0xac: {  	[dreg:$0x1] =	wrdreg $0xFFFFFFFF  }
0xad: {  	[dreg:$0x0] =	wrdreg $0x60  }
0xae: {  	[dreg:$0x2] =	wrdreg s24  }
0xaf: {  	[dreg:$0x3] =	wrdreg $0xBE000  }
0xb0: {  	[dreg:$0x4] =	wrdreg $0x9  }
0xb1: {  	_ =	task.clear_ibuf [dreg:s6], $0x5FFFF;
	_ =	strace $0x90000049  }
0xb2: {  	s29 =	simm.s32 $0x9;
	_ =	strace $0x8000004B  }
0xb3: {  	_ =	swait.ge [sflag:s29], $0x1  }
0xb4: {  	[sflag:s29] =	ssyncadd.s32 $0xFFFFFFFF  }
0xb5: {  	_ =	strace $0x9000004B  }
0xb6: {  	_ =	sfence  }
0xb7: {  	s30 =	sld [smem:$0x0];
	_ =	sdelay $0x2  }
0xb8: {  	s31 =	sshll.u32 s1, $0xD;
	s1 =	sshrl.u32 s1, $0x2  }
0xb9: {  	s3 =	sand.u32 $0x4000, s31;
	s1 =	sadd.s32 s1, s30  }
0xba: {  	s0 =	sor.u32 s3, s0;
	s1 =	sshll.u32 s1, $0x11  }
0xbb: {  	s0 =	sor.u32 s1, s0  }
0xbc: {  	s0 =	sadd.s32 $0x8F2B, s0  }
0xbd: {  	[sflag:s0] =	ssyncadd.remote.s32 $0x1  }
0xbe: {  	_ =	sfence.sel $0xFFFF  }
0xbf: {  	[dreg:$0x0] =	wrdreg $0xFFFFFFFF;
	(pc) =	sbr.abs _section_cstart, $3  }
0xc0: {  	[dreg:$0x1] =	wrdreg $0xFFFFFFFF  }
0xc1: {  	_ =	task.clear_ibuf [dreg:s6], $0x2FFFF;
	_ =	strace $0x9FFFFFFF  }
0xc2: {  	(tm) =	ssettm $0x7FFFFFFF  }
0xc3: {  	_ =	shalt  }
tec
execute0_lowered:
.L_overlay_start_1:
0x0: {  	(tag) =	ssettag $0x1  }
0x1: {  	s0 =	rddreg [dreg:$0x0]  }
0x2: {  	s1 =	rddreg [dreg:$0x1];
	s3 =	simm.s32 $0x0;
	s2 =	srdreg.scid  }
0x3: {  	s23 =	stileid.u32;
	s28 =	simm.s32 $0x1;
	s29 =	simm.s32 $0x170  }
0x4: {  	s30 =	simm.s32 $0x600;
	s31 =	simm.s32 $0x3;
	[smem:$0x7FF] =	sst s3  }
0x5: {  	s2 =	sand.u32 $0x1, s2;
	s8 =	smul.u32 $0x2700, s23;
	s4 =	sadd.s32 $0x3F600, s0  }
0x6: {  	s5 =	sadd.s32 $0x8D800, s0;
	s9 =	sadd.s32 $0xA1600, s0;
	s13 =	smul.u32 $0x4F10, s23  }
0x7: {  	s11 =	sadd.s32 $0xAB600, s0;
	s14 =	smul.u32 $0x4E000, s23;
	s18 =	sshll.u32 s23, $0x6  }
0x8: {  	s20 =	sadd.s32 $0x138000, s1;
	p0 =	sne.s32 s23, $0xF;
	_ =	strace $0x8000004A  }
0x9: {  	s6 =	sshll.u32 s2, $0x4;
	s7 =	ssub.s32 $0x2, s2;
	[dreg:$0x7] =	wrdreg s20  }
0xa: {  	s6 =	sor.u32 s23, s6;
	s10 =	sadd.s32 s8, s0;
	s12 =	sshrl.u32 s7, $0x1  }
0xb: {  	s24 =	sshrl.u32 s13, $0x3;
	s26 =	sshrl.u32 s14, $0x2;
	s0 =	sadd.s32 $0x3F000, s0  }
0xc: {  	s6 =	smul.u32 $0x4F10, s6;
	s17 =	ssub.s32 s7, s12;
	s19 =	sadd.s32 s9, s24  }
0xd: {  	s15 =	sadd.s32 s26, s1;
	[dreg:$0x8] =	wrdreg s0;
	s26 =	smul.u32 $0x9E2, s23  }
0xe: {  	s16 =	sadd.s32 $0x18000, s10;
	[dreg:$0x5] =	wrdreg s15;
	s15 =	smul.u32 $0x27100, s2  }
0xf: {  	s12 =	sor.u32 $0x1C04, s18;
	[dreg:$0x6] =	wrdreg s16;
	s16 =	smul.u32 $0x138800, s2  }
0x10: {  	s23 =	simm.s32 $0x180;
	s14 =	sadd.s32 $0x2E, s19;
	s2 =	smul.u32 $0x4F100, s2  }
0x11: {  	s17 =	smax.u32 s17, $0x1;
	s6 =	sshrl.u32 s6, $0x3;
	[dreg:$0x4] =	wrdreg s14  }
0x12: {  	s6 =	sadd.s32 s5, s6;
	s21 =	sadd.s32 s8, s15;
	s22 =	sshrl.u32 s16, $0x3  }
0x13: {  	s2 =	sadd.s32 s13, s2;
	s15 =	smov.u32 s19;
	s19 =	sadd.s32 $0x9B4, s19  }
0x14: {  	s25 =	sadd.s32 $0x2E, s6;
	s0 =	sadd.s32 s11, s21;
	s24 =	sadd.s32 s11, s22  }
0x15: {  	s7 =	smov.u32 s6;
	s18 =	sadd.s32 $0x9B4, s6;
	s21 =	sadd.s32 s26, s9  }
0x16: {  	s22 =	sadd.s32 $0x2E0, s2;
	s26 =	simm.s32 $0x4;
	[dreg:$0x3] =	wrdreg s25  }
0x17: {  	[dreg:$0x9] =	wrdreg s0;
	s16 =	sadd.s32 $0x27000, s24;
	s25 =	sadd.s32 $0x450, s2  }
0x18: {  	s24 =	simm.s32 $0x300;
	s2 =	simm.s32 $0x0;
	s0 =	sshrl.u32 s25, $0x3  }
0x19: {  	s25 =	simm.s32 $0x480;
	s20 =	sadd.s32 s0, s5;
	s0 =	simm.s32 $0x2  }
.LBB2_1:
0x1a: {  	[tilespmem:s3], [sflag:$0x1] =	stream.linear.gather [hbm4b:s7+s3], $0x170, $0x38;
	[tilespmem:$0x1F840] =	vst v63  }
0x1b: {  	s6 =	rddreg [dreg:$0x3]  }
0x1c: {  	[tilespmem:s23], [sflag:$0x1] =	stream.linear.gather [hbm4b:s15+s3], $0x170, $0x38;
	[tilespmem:$0x1F840] =	vst v63  }
0x1d: {  	s8 =	rddreg [dreg:$0x4]  }
0x1e: {  	[tilespmem:s24], [sflag:$0x2] =	stream.linear.gather [hbm4b:s6+s3], $0x170, $0x38;
	[tilespmem:$0x1F840] =	vst v63  }
0x1f: {  	s9 =	rddreg [dreg:$0x5]  }
0x20: {  	[tilespmem:s25], [sflag:$0x2] =	stream.linear.gather [hbm4b:s8+s3], $0x170, $0x38;
	[tilespmem:$0x1F840] =	vst v63  }
0x21: {  	s10 =	rddreg [dreg:$0x6];
	s8 =	sshrl.u32 s9, $0x3  }
0x22: {  	[spmem:s8], [sflag:s12] =	dma.local [hbm:s10], $0x2700  }
0x23: {  	_ =	swait.ge [sflag:s26], $0x2700  }
0x24: {  	s10 =	simm.s32 @!p0 $0x4;
	[sflag:s26] =	ssyncset.done $0x0;
	s6 =	rddreg [dreg:$0x7]  }
0x25: {  	[sflag:s26] =	ssyncadd.s32 $0xFFFFD900;
	s9 =	sshrl.u32 @!p0 s6, $0x3;
	s6 =	rddreg [dreg:$0x8]  }
0x26: {  	[spmem:s9], [sflag:s12] =	dma.local @!p0 [hbm:s6], $0x480  }
0x27: {  	_ =	swait.ge @!p0 [sflag:s10], $0x480  }
0x28: {  	[sflag:s10] =	ssyncset.done @!p0 $0x0  }
0x29: {  	[sflag:s10] =	ssyncadd.s32 @!p0 $0xFFFFFB80  }
0x2a: {  	[bflag:$0x0] =	sbarrier.arrive $0xFFFF  }
0x2b: {  	_ =	swait.ge [sflag:s28], $0x170  }
0x2c: {  	[sflag:s28] =	ssyncset.done $0x0  }
0x2d: {  	[sflag:s28] =	ssyncadd.s32 $0xFFFFFE90  }
0x2e: {  	_ =	swait.ge [sflag:s28], $0x170  }
0x2f: {  	[sflag:s28] =	ssyncset.done $0x0  }
0x30: {  	[sflag:s28] =	ssyncadd.s32 $0xFFFFFE90  }
0x31: {  	[tilespmem:s30], [sflag:$0x3] =	stream.indirect.gather [hbm4b:s4+s29], $0x80, s3, s29, $0xb8;
	[tilespmem:$0x1F840] =	vst v63  }
0x32: {  	_ =	swait.ge [sflag:s31], $0xB800  }
0x33: {  	[sflag:s31] =	ssyncset.done $0x0  }
0x34: {  	[sflag:s31] =	ssyncadd.s32 $0xFFFF4800  }
0x35: {  	[spmem:s1] =	stream.indirect.scatter.add.f32 [tilespmem:s30], [sflag:$0x4], $0x80, s23, s29, $0xb8;
	[tilespmem:$0x1F840] =	vst v63  }
0x36: {  	_ =	swait.ge [sflag:s26], $0xB800  }
0x37: {  	s11 =	sshrl.u32 s22, $0x3;
	[sflag:s26] =	ssyncset.done $0x0  }
0x38: {  	s10 =	sadd.s32 s5, s11;
	s11 =	sadd.s32 $0x0, s21;
	[sflag:s26] =	ssyncadd.s32 $0xFFFF4800  }
0x39: {  	[tilespmem:s3], [sflag:$0x1] =	stream.linear.gather [hbm4b:s10+s3], $0x170, $0x38;
	[tilespmem:$0x1F840] =	vst v63  }
0x3a: {  	s13 =	sadd.s32 $0x5C, s11  }
0x3b: {  	[tilespmem:s23], [sflag:$0x1] =	stream.linear.gather [hbm4b:s13+s3], $0x170, $0x38;
	[tilespmem:$0x1F840] =	vst v63  }
0x3c: {  	_ =	swait.ge [sflag:s0], $0x170  }
0x3d: {  	[sflag:s0] =	ssyncset.done $0x0  }
0x3e: {  	[sflag:s0] =	ssyncadd.s32 $0xFFFFFE90  }
0x3f: {  	_ =	swait.ge [sflag:s0], $0x170  }
0x40: {  	[sflag:s0] =	ssyncset.done $0x0  }
0x41: {  	[sflag:s0] =	ssyncadd.s32 $0xFFFFFE90  }
0x42: {  	[tilespmem:s30], [sflag:$0x3] =	stream.indirect.gather [hbm4b:s4+s29], $0x80, s24, s29, $0xb8;
	[tilespmem:$0x1F840] =	vst v63  }
0x43: {  	_ =	swait.ge [sflag:s31], $0xB800  }
0x44: {  	[sflag:s31] =	ssyncset.done $0x0  }
0x45: {  	[sflag:s31] =	ssyncadd.s32 $0xFFFF4800  }
0x46: {  	[spmem:s1] =	stream.indirect.scatter.add.f32 [tilespmem:s30], [sflag:$0x4], $0x80, s25, s29, $0xb8;
	[tilespmem:$0x1F840] =	vst v63  }
0x47: {  	_ =	swait.ge [sflag:s26], $0xB800  }
0x48: {  	s14 =	sadd.s32 $0x0, s20;
	s10 =	simm.s32 $0x5C;
	[sflag:s26] =	ssyncset.done $0x0  }
0x49: {  	s13 =	sadd.s32 $0x8A, s11;
	s11 =	sadd.s32 $0x2E0, s22;
	[sflag:s26] =	ssyncadd.s32 $0xFFFF4800  }
0x4a: {  	[tilespmem:s24], [sflag:$0x2] =	stream.linear.gather [hbm4b:s14+s3], $0x170, $0x38;
	[tilespmem:$0x1F840] =	vst v63  }
.LBB2_2:
0x4b: {  	[tilespmem:s25], [sflag:$0x2] =	stream.linear.gather [hbm4b:s13+s3], $0x170, $0x38;
	[tilespmem:$0x1F840] =	vst v63  }
0x4c: {  	s13 =	smov.u32 s10  }
0x4d: {  	p1 =	sne.s32 s10, $0x8FC;
	s10 =	sadd.s32 $0x5C, s10;
	_ =	swait.ge [sflag:s28], $0x170  }
0x4e: {  	[sflag:s28] =	ssyncset.done $0x0  }
0x4f: {  	[sflag:s28] =	ssyncadd.s32 $0xFFFFFE90  }
0x50: {  	_ =	swait.ge [sflag:s28], $0x170  }
0x51: {  	[sflag:s28] =	ssyncset.done $0x0  }
0x52: {  	[sflag:s28] =	ssyncadd.s32 $0xFFFFFE90  }
0x53: {  	[tilespmem:s30], [sflag:$0x3] =	stream.indirect.gather [hbm4b:s4+s29], $0x80, s3, s29, $0xb8;
	[tilespmem:$0x1F840] =	vst v63  }
0x54: {  	_ =	swait.ge [sflag:s31], $0xB800  }
0x55: {  	[sflag:s31] =	ssyncset.done $0x0  }
0x56: {  	[sflag:s31] =	ssyncadd.s32 $0xFFFF4800  }
0x57: {  	[spmem:s1] =	stream.indirect.scatter.add.f32 [tilespmem:s30], [sflag:$0x4], $0x80, s23, s29, $0xb8;
	[tilespmem:$0x1F840] =	vst v63  }
0x58: {  	_ =	swait.ge [sflag:s26], $0xB800  }
0x59: {  	s14 =	sshrl.u32 s11, $0x3;
	[sflag:s26] =	ssyncset.done $0x0  }
0x5a: {  	s14 =	sadd.s32 s5, s14;
	s6 =	sadd.s32 s13, s21;
	[sflag:s26] =	ssyncadd.s32 $0xFFFF4800  }
0x5b: {  	[tilespmem:s3], [sflag:$0x1] =	stream.linear.gather [hbm4b:s14+s3], $0x170, $0x38;
	[tilespmem:$0x1F840] =	vst v63  }
0x5c: {  	s14 =	sadd.s32 $0x5C, s6  }
0x5d: {  	[tilespmem:s23], [sflag:$0x1] =	stream.linear.gather [hbm4b:s14+s3], $0x170, $0x38;
	[tilespmem:$0x1F840] =	vst v63  }
0x5e: {  	_ =	swait.ge [sflag:s0], $0x170  }
0x5f: {  	[sflag:s0] =	ssyncset.done $0x0  }
0x60: {  	[sflag:s0] =	ssyncadd.s32 $0xFFFFFE90  }
0x61: {  	_ =	swait.ge [sflag:s0], $0x170  }
0x62: {  	[sflag:s0] =	ssyncset.done $0x0  }
0x63: {  	[sflag:s0] =	ssyncadd.s32 $0xFFFFFE90  }
0x64: {  	[tilespmem:s30], [sflag:$0x3] =	stream.indirect.gather [hbm4b:s4+s29], $0x80, s24, s29, $0xb8;
	[tilespmem:$0x1F840] =	vst v63  }
0x65: {  	_ =	swait.ge [sflag:s31], $0xB800  }
0x66: {  	[sflag:s31] =	ssyncset.done $0x0  }
0x67: {  	[sflag:s31] =	ssyncadd.s32 $0xFFFF4800  }
0x68: {  	[spmem:s1] =	stream.indirect.scatter.add.f32 [tilespmem:s30], [sflag:$0x4], $0x80, s25, s29, $0xb8;
	[tilespmem:$0x1F840] =	vst v63  }
.Ltmp0:
0x69: {  	_ =	swait.ge [sflag:s26], $0xB800;
	(pc) =	sbr.rel @p1 .LBB2_2-.Ltmp0, $4  }
0x6a: {  	[sflag:s26] =	ssyncset.done $0x0  }
0x6b: {  	s13 =	sadd.s32 s13, s20;
	[sflag:s26] =	ssyncadd.s32 $0xFFFF4800  }
0x6c: {  	[tilespmem:s24], [sflag:$0x2] =	stream.linear.gather [hbm4b:s13+s3], $0x170, $0x38;
	[tilespmem:$0x1F840] =	vst v63  }
0x6d: {  	s11 =	sadd.s32 $0x2E0, s11;
	s13 =	sadd.s32 $0x8A, s6  }
0x6e: {  	[tilespmem:s25], [sflag:$0x2] =	stream.linear.gather [hbm4b:s13+s3], $0x170, $0x38;
	[tilespmem:$0x1F840] =	vst v63  }
0x6f: {  	_ =	swait.ge [sflag:s28], $0x170  }
0x70: {  	[sflag:s28] =	ssyncset.done $0x0  }
0x71: {  	[sflag:s28] =	ssyncadd.s32 $0xFFFFFE90  }
0x72: {  	_ =	swait.ge [sflag:s28], $0x170  }
0x73: {  	[sflag:s28] =	ssyncset.done $0x0  }
0x74: {  	[sflag:s28] =	ssyncadd.s32 $0xFFFFFE90  }
0x75: {  	[tilespmem:s30], [sflag:$0x3] =	stream.indirect.gather [hbm4b:s4+s29], $0x80, s3, s29, $0xb8;
	[tilespmem:$0x1F840] =	vst v63  }
0x76: {  	_ =	swait.ge [sflag:s31], $0xB800  }
0x77: {  	[sflag:s31] =	ssyncset.done $0x0  }
0x78: {  	[sflag:s31] =	ssyncadd.s32 $0xFFFF4800  }
0x79: {  	[spmem:s1] =	stream.indirect.scatter.add.f32 [tilespmem:s30], [sflag:$0x4], $0x80, s23, s29, $0xb8;
	[tilespmem:$0x1F840] =	vst v63  }
0x7a: {  	_ =	swait.ge [sflag:s26], $0xB800  }
0x7b: {  	[sflag:s26] =	ssyncset.done $0x0  }
0x7c: {  	[sflag:s26] =	ssyncadd.s32 $0xFFFF4800  }
0x7d: {  	[tilespmem:s3], [sflag:$0x1] =	stream.linear.gather [hbm4b:s18+s3], $0x170, $0x38;
	[tilespmem:$0x1F840] =	vst v63  }
0x7e: {  	_ = 	snop  }
0x7f: {  	[tilespmem:s23], [sflag:$0x1] =	stream.linear.gather [hbm4b:s19+s3], $0x170, $0x38;
	[tilespmem:$0x1F840] =	vst v63  }
0x80: {  	_ =	swait.ge [sflag:s0], $0x170  }
0x81: {  	[sflag:s0] =	ssyncset.done $0x0  }
0x82: {  	[sflag:s0] =	ssyncadd.s32 $0xFFFFFE90  }
0x83: {  	_ =	swait.ge [sflag:s0], $0x170  }
0x84: {  	[sflag:s0] =	ssyncset.done $0x0  }
0x85: {  	[sflag:s0] =	ssyncadd.s32 $0xFFFFFE90  }
0x86: {  	[tilespmem:s30], [sflag:$0x3] =	stream.indirect.gather [hbm4b:s4+s29], $0x80, s24, s29, $0xb8;
	[tilespmem:$0x1F840] =	vst v63  }
0x87: {  	_ =	swait.ge [sflag:s31], $0xB800  }
0x88: {  	[sflag:s31] =	ssyncset.done $0x0  }
0x89: {  	[sflag:s31] =	ssyncadd.s32 $0xFFFF4800  }
0x8a: {  	[spmem:s1] =	stream.indirect.scatter.add.f32 [tilespmem:s30], [sflag:$0x4], $0x80, s25, s29, $0xb8;
	[tilespmem:$0x1F840] =	vst v63  }
0x8b: {  	_ =	swait.ge [sflag:s26], $0xB800  }
0x8c: {  	[sflag:s26] =	ssyncset.done $0x0  }
0x8d: {  	[sflag:s26] =	ssyncadd.s32 $0xFFFF4800  }
0x8e: {  	_ =	swait.ge [sflag:s28], $0x170  }
0x8f: {  	[sflag:s28] =	ssyncset.done $0x0  }
0x90: {  	[sflag:s28] =	ssyncadd.s32 $0xFFFFFE90  }
0x91: {  	_ =	swait.ge [sflag:s28], $0x170  }
0x92: {  	[sflag:s28] =	ssyncset.done $0x0  }
0x93: {  	[sflag:s28] =	ssyncadd.s32 $0xFFFFFE90  }
0x94: {  	[tilespmem:s30], [sflag:$0x3] =	stream.indirect.gather [hbm4b:s4+s29], $0x80, s3, s29, $0xb8;
	[tilespmem:$0x1F840] =	vst v63  }
0x95: {  	_ =	swait.ge [sflag:s31], $0xB800  }
0x96: {  	[sflag:s31] =	ssyncset.done $0x0  }
0x97: {  	[sflag:s31] =	ssyncadd.s32 $0xFFFF4800  }
0x98: {  	[spmem:s1] =	stream.indirect.scatter.add.f32 [tilespmem:s30], [sflag:$0x4], $0x80, s23, s29, $0xb8;
	[tilespmem:$0x1F840] =	vst v63  }
0x99: {  	_ =	swait.ge [sflag:s26], $0xB800  }
0x9a: {  	[sflag:s26] =	ssyncset.done $0x0  }
0x9b: {  	[sflag:s26] =	ssyncadd.s32 $0xFFFF4800  }
0x9c: {  	[bflag:$0x0] =	sbarrier.arrive $0xFFFF  }
0x9d: {  	s6 =	rddreg [dreg:$0x9]  }
0x9e: {  	[hbm:s6], [sflag:s12] =	dma.local [spmem:s8], $0x2700  }
0x9f: {  	s2 =	sadd.s32 $0x1, s2;
	_ =	swait.ge [sflag:s26], $0x2700  }
0xa0: {  	p1 =	sne.s32 s2, s17;
	[sflag:s26] =	ssyncset.done $0x0  }
.Ltmp1:
0xa1: {  	s6 =	simm.s32 @!p0 $0x4;
	[sflag:s26] =	ssyncadd.s32 $0xFFFFD900;
	(pc) =	sbr.rel @p1 .LBB2_1-.Ltmp1, $4  }
0xa2: {  	[hbm:s16], [sflag:s12] =	dma.local @!p0 [spmem:s9], $0x100  }
0xa3: {  	_ =	swait.ge @!p0 [sflag:s6], $0x100  }
0xa4: {  	[sflag:s6] =	ssyncset.done @!p0 $0x0  }
0xa5: {  	[sflag:s6] =	ssyncadd.s32 @!p0 $0xFFFFFF00  }
0xa6: {  	_ =	sfence.sel $0x180000  }
0xa7: {  	[bflag:$0x0] =	sbarrier.arrive $0xFFFF  }
0xa8: {  	_ =	strace $0x9000004A  }
0xa9: {  	s0 =	stileid.u32;
	[bflag:$0x2] =	sbarrier.arrive $0xFFFF  }
0xaa: {  	p0 =	sne.s32 s0, $0x0;
	s0 =	rddreg [dreg:$0x2]  }
0xab: {  	s0 =	sadd.s32 @!p0 $0x100000, s0  }
0xac: {  	[sflag:s0] =	ssyncadd.tile.s32 @!p0 $0x1;
	_ =	shalt  }
.Lfunc_end2:
_tile_overlayer_lowered:
.L_overlay_start_2:
0xad: {  	(tag) =	ssettag $0x2  }
0xae: {  	s0 =	rddreg [dreg:$0x0];
	s2 =	stileid.u32  }
0xaf: {  	s1 =	rddreg [dreg:$0x1];
	p0 =	sne.s32 s2, $0x0  }
0xb0: {  	s3 =	rddreg [dreg:$0x2];
	[bflag:$0x3] =	sbarrier.arrive $0xFFFF;
	s2 =	simm.s32 @!p0 $0x1C04  }
0xb1: {  	[timem:s3], [sflag:s2] =	dma.local @!p0 [hbm:s0], s1  }
0xb2: {  	s0 =	simm.s32 @!p0 $0x4  }
0xb3: {  	_ =	swait.ge @!p0 [sflag:s0], s1  }
0xb4: {  	s1 =	ssub.s32 @!p0 $0x0, s1;
	[sflag:s0] =	ssyncset.done @!p0 $0x0  }
0xb5: {  	[sflag:s0] =	ssyncadd.s32 @!p0 s1  }
0xb6: {  	[bflag:$0x3] =	sbarrier.arrive $0xFFFF  }
0xb7: {  	_ =	shalt  }

// kernel: kernel.17.cloned.1.call-start
scs
__scs_entry_jumppad:
0x0: {  	(pc) =	sbr.rel $0x88, $3  }
0x1: {  	(tag) =	ssettag $0x0;
	lr =	simm.s32 $0x1  }
0x2: {  	[smem:$0x3F94] =	sst lr;
	_ =	strace $0xD0000000  }
0x3: {  	_ = 	snop  }
0x4: {  	_ = 	snop  }
0x5: {  	_ = 	snop  }
0x6: {  	_ = 	snop  }
0x7: {  	_ = 	snop  }
__scs_overlays_trampoline_lowered:
0x8: {  	[smem:$0x3FA3] =	sst s0  }
0x9: {  	[smem:$0x3FA4] =	sst s1  }
0xa: {  	[smem:$0x3FA5] =	sst s2  }
0xb: {  	[smem:$0x3FA6] =	sst s3  }
0xc: {  	[smem:$0x3FA7] =	sst s4  }
0xd: {  	[smem:$0x3FA8] =	sst s5  }
0xe: {  	[smem:$0x3FA9] =	sst s6  }
0xf: {  	[smem:$0x3FAA] =	sst s7  }
0x10: {  	[smem:$0x3FAB] =	sst s8  }
0x11: {  	[smem:$0x3FAC] =	sst s9;
	s0 =	simm.s32 @!p0 $0x0  }
0x12: {  	s1 =	sld [smem:$0x3F92];
	s0 =	simm.s32 @p0 $0x1  }
0x13: {  	[smem:$0x3FAD] =	sst s0;
	s0 =	simm.s32 @!p1 $0x0  }
0x14: {  	s2 =	sld [smem:$0x3F91];
	s0 =	simm.s32 @p1 $0x1  }
0x15: {  	[smem:$0x3FAE] =	sst s0;
	s0 =	simm.s32 @!p2 $0x0  }
0x16: {  	s3 =	sld [smem:$0x3FDB];
	s0 =	simm.s32 @p2 $0x1  }
0x17: {  	s4 =	simm.s32 $0x1BF5;
	[smem:$0x3FB0] =	sst s0  }
0x18: {  	s0 =	sld [smem:$0x3F93];
	_ =	swait.ge [sflag:s4], $0x0  }
0x19: {  	s7 =	sld [smem:$0x3F94]  }
0x1a: {  	s8 =	sadd.s32 $0xFFFFE003, lr  }
0x1b: {  	s9 =	sadd.s32 $0xFFFFFEF7, lr;
	s5 =	simm.s32 $0xFFFFFFFF;
	p2 =	slt.u32 s8, $0xFFFFF086  }
0x1c: {  	p1 =	slt.u32 s9, $0xF7A;
	s5 =	simm.s32 @!p2 $0x0  }
0x1d: {  	s5 =	simm.s32 @p1 $0x1;
	p0 =	seq.s32 s7, s2  }
0x1e: {  	s7 =	smul.u32 @!p0 $0xF7A, s2;
	p2 =	seq.s32 @!p0 s5, $0x0  }
0x1f: {  	s9 =	smul.u32 $0xF7A, s1;
	s8 =	simm.s32 @!p0 $0x1BF5;
	p2 =	por !p2, p0  }
0x20: {  	[sflag:s8] =	ssyncset.s32 @!p0 $0xFFFFF086;
	s6 =	sadd.s32 @!p0 s3, s7;
	s7 =	simm.s32 @!p0 $0x108  }
0x21: {  	s3 =	sadd.s32 s3, s9;
	s6 =	sadd.s32 @!p0 $0x88, s6;
	s7 =	simm.s32 @p2 $0x1082  }
0x22: {  	[simem:s7], [sflag:s8] =	dma.local @!p0 [hbm:s6], $0xF7A  }
0x23: {  	s9 =	sor.u32 $0xD0000000, s2;
	s6 =	simm.s32 $0x108;
	_ =	swait.ge @!p0 [sflag:s8], $0x0  }
0x24: {  	s3 =	sadd.s32 $0x88, s3;
	s6 =	simm.s32 @!p1 $0x1082;
	[sflag:s4] =	ssyncset.s32 $0xFFFFF086  }
0x25: {  	[simem:s6], [sflag:s4] =	dma.local [hbm:s3], $0xF7A  }
0x26: {  	[smem:$0x3F94] =	sst s1;
	(tag) =	ssettag s2;
	_ =	strace s9  }
0x27: {  	s1 =	sld [smem:$0x3FA4]  }
0x28: {  	s2 =	sld [smem:$0x3FA5]  }
0x29: {  	s4 =	sld [smem:$0x3FA7]  }
0x2a: {  	p0 =	seq.s32 s5, $0x0;
	s5 =	sld [smem:$0x3FA8]  }
0x2b: {  	s6 =	sld [smem:$0x3FA9]  }
0x2c: {  	s7 =	sld [smem:$0x3FAA]  }
0x2d: {  	s3 =	simm.s32 $0x108;
	s8 =	sld [smem:$0x3FAB]  }
0x2e: {  	s3 =	simm.s32 @!p0 $0x1082;
	s9 =	sld [smem:$0x3FAC]  }
0x2f: {  	lr =	sadd.s32 s0, s3;
	s0 =	sld [smem:$0x3FA3]  }
0x30: {  	s3 =	sld [smem:$0x3FA6]  }
0x31: {  	[smem:$0x3FAF] =	sst s10  }
0x32: {  	s10 =	sld [smem:$0x3FAD];
	_ =	sdelay $0x3  }
0x33: {  	p0 =	seq.s32 s10, $0x1;
	s10 =	sld [smem:$0x3FAF];
	_ =	sdelay $0x3  }
0x34: {  	[smem:$0x3FAF] =	sst s10  }
0x35: {  	s10 =	sld [smem:$0x3FAE];
	_ =	sdelay $0x3  }
0x36: {  	p1 =	seq.s32 s10, $0x1;
	s10 =	sld [smem:$0x3FAF];
	_ =	sdelay $0x3  }
0x37: {  	[smem:$0x3FAF] =	sst s10  }
0x38: {  	s10 =	sld [smem:$0x3FB0]  }
0x39: {  	_ = 	snop;
	(pc) =	sbr.ind lr, $3  }
0x3a: {  	_ = 	snop  }
0x3b: {  	_ = 	snop  }
0x3c: {  	p2 =	seq.s32 s10, $0x1;
	s10 =	sld [smem:$0x3FAF]  }
0x3d: {  	_ =	shalt  }
0x3e: {  	_ =	shalt  }
0x3f: {  	_ =	shalt  }
0x40: {  	_ =	shalt  }
0x41: {  	_ =	shalt  }
0x42: {  	_ =	shalt  }
0x43: {  	_ =	shalt  }
0x44: {  	_ =	shalt  }
0x45: {  	_ =	shalt  }
0x46: {  	_ =	shalt  }
0x47: {  	_ =	shalt  }
0x48: {  	_ =	shalt  }
0x49: {  	_ =	shalt  }
0x4a: {  	_ =	shalt  }
0x4b: {  	_ =	shalt  }
0x4c: {  	_ =	shalt  }
0x4d: {  	_ =	shalt  }
0x4e: {  	_ =	shalt  }
0x4f: {  	_ =	shalt  }
0x50: {  	_ =	shalt  }
0x51: {  	_ =	shalt  }
0x52: {  	_ =	shalt  }
0x53: {  	_ =	shalt  }
0x54: {  	_ =	shalt  }
0x55: {  	_ =	shalt  }
0x56: {  	_ =	shalt  }
0x57: {  	_ =	shalt  }
0x58: {  	_ =	shalt  }
0x59: {  	_ =	shalt  }
0x5a: {  	_ =	shalt  }
0x5b: {  	_ =	shalt  }
0x5c: {  	_ =	shalt  }
0x5d: {  	_ =	shalt  }
0x5e: {  	_ =	shalt  }
0x5f: {  	_ =	shalt  }
0x60: {  	_ =	shalt  }
0x61: {  	_ =	shalt  }
0x62: {  	_ =	shalt  }
0x63: {  	_ =	shalt  }
0x64: {  	_ =	shalt  }
0x65: {  	_ =	shalt  }
0x66: {  	_ =	shalt  }
0x67: {  	_ =	shalt  }
0x68: {  	_ =	shalt  }
0x69: {  	_ =	shalt  }
0x6a: {  	_ =	shalt  }
0x6b: {  	_ =	shalt  }
0x6c: {  	_ =	shalt  }
0x6d: {  	_ =	shalt  }
0x6e: {  	_ =	shalt  }
0x6f: {  	_ =	shalt  }
0x70: {  	_ =	shalt  }
0x71: {  	_ =	shalt  }
0x72: {  	_ =	shalt  }
0x73: {  	_ =	shalt  }
0x74: {  	_ =	shalt  }
0x75: {  	_ =	shalt  }
0x76: {  	_ =	shalt  }
0x77: {  	_ =	shalt  }
0x78: {  	_ =	shalt  }
0x79: {  	_ =	shalt  }
0x7a: {  	_ =	shalt  }
0x7b: {  	_ =	shalt  }
0x7c: {  	_ =	shalt  }
0x7d: {  	_ =	shalt  }
0x7e: {  	_ =	shalt  }
0x7f: {  	_ =	shalt  }
0x80: {  	_ =	shalt  }
0x81: {  	_ =	shalt  }
0x82: {  	_ =	shalt  }
0x83: {  	_ =	shalt  }
0x84: {  	_ =	shalt  }
0x85: {  	_ =	shalt  }
0x86: {  	_ =	shalt  }
0x87: {  	_ =	shalt  }
.Lfunc_end0:
.L_simem_size_0:
called_computation.2_lowered:
.L_overlay_start_0:
0x88: {  	s2 =	sld [smem:$0x3FD9]  }
0x89: {  	s3 =	sld [smem:$0x3FFE];
	_ =	sdelay $0x1  }
0x8a: {  	s1 =	srdreg.scid  }
0x8b: {  	s0 =	sand.u32 $0x1, s1  }
0x8c: {  	s17 =	sshll.u32 s0, $0xA;
	s2 =	sadd.s32 s3, s2  }
0x8d: {  	s2 =	sadd.s32 s2, s17  }
0x8e: {  	[smem:$0x3FBB] =	sst s2  }
0x8f: {  	_ = 	snop  }
0x90: {  	s2 =	sld [smem:$0x3FD0];
	(tm) =	ssettm $0x1  }
0x91: {  	s18 =	sld [smem:$0x3FFB];
	_ =	sdelay $0x3  }
0x92: {  	_ =	strace s18  }
0x93: {  	s3 =	sld [smem:$0x3FFC];
	_ =	sdelay $0x3  }
0x94: {  	_ =	strace s3  }
0x95: {  	s3 =	sld [smem:$0x3FFD];
	_ =	sdelay $0x3  }
0x96: {  	_ =	strace s3  }
0x97: {  	_ =	strace $0x8FFFFFFF  }
0x98: {  	s19 =	sld [smem:$0x3FDB];
	_ =	sdelay $0x1  }
0x99: {  	s4 =	simm.s32 $_scs_section_size  }
0x9a: {  	s5 =	simm.s32 $_size__tile_overlayer_lowered;
	s6 =	simm.s32 $_tile_overlayer_lowered  }
0x9b: {  	s22 =	simm.s32 $0x1BFF;
	s21 =	sshll.u32 s6, $0x1;
	s3 =	sadd.s32 s4, s19  }
0x9c: {  	s7 =	simm.s32 $0x0;
	s20 =	sshll.u32 s5, $0x1;
	s5 =	sadd.s32 s21, s3  }
0x9d: {  	[timem:s7], [sflag:s22] =	dma.local [hbm:s5], s20  }
0x9e: {  	_ =	swait.ge [sflag:s22], s20  }
0x9f: {  	s4 =	ssub.s32 $0x0, s20;
	[sflag:s22] =	ssyncset.done $0x0  }
0xa0: {  	[sflag:s22] =	ssyncadd.s32 s4;
	_ =	sdelay $0x1  }
0xa1: {  	s23 =	simm.s32 $0x1B8B  }
0xa2: {  	_ =	swait.ge [sflag:s23], $0x1  }
0xa3: {  	[sflag:s23] =	ssyncset.done $0x0  }
0xa4: {  	s25 =	simm.s32 $0x1B8E;
	s24 =	sld [smem:$0x3FFE];
	[sflag:s23] =	ssyncadd.s32 $0xFFFFFFFF  }
0xa5: {  	s26 =	simm.s32 $execute0_lowered;
	[smem:$0x3FD2] =	sst s25  }
0xa6: {  	s5 =	sshll.u32 s26, $0x1;
	_ =	strace $0x8000004C;
	[dreg:$0x1] =	wrdreg $0xFFFFFFFF  }
0xa7: {  	s28 =	simm.s32 $_size_execute0_lowered;
	s3 =	sadd.s32 s3, s5;
	[dreg:$0x0] =	wrdreg $0x0  }
0xa8: {  	s5 =	sshll.u32 s28, $0x1;
	[dreg:$0x2] =	wrdreg s3  }
0xa9: {  	[dreg:$0x3] =	wrdreg s5  }
0xaa: {  	[dreg:$0x4] =	wrdreg $0xC0  }
0xab: {  	_ =	task [dreg:s7], $0x5FFFF  }
0xac: {  	[dreg:$0x1] =	wrdreg $0xFFFFFFFF  }
0xad: {  	[dreg:$0x0] =	wrdreg $0x60  }
0xae: {  	[dreg:$0x2] =	wrdreg s2  }
0xaf: {  	[dreg:$0x3] =	wrdreg s24  }
0xb0: {  	[dreg:$0x4] =	wrdreg $0xBE000  }
0xb1: {  	[dreg:$0x5] =	wrdreg $0x9  }
0xb2: {  	_ =	task.clear_ibuf [dreg:s7], $0x6FFFF;
	_ =	strace $0x9000004C  }
0xb3: {  	s29 =	simm.s32 $0x9;
	_ =	strace $0x8000004E  }
0xb4: {  	_ =	swait.ge [sflag:s29], $0x1  }
0xb5: {  	[sflag:s29] =	ssyncadd.s32 $0xFFFFFFFF  }
0xb6: {  	_ =	strace $0x9000004E  }
0xb7: {  	_ =	sfence  }
0xb8: {  	s30 =	sld [smem:$0x0];
	_ =	sdelay $0x2  }
0xb9: {  	s31 =	sshll.u32 s1, $0xD;
	s1 =	sshrl.u32 s1, $0x2  }
0xba: {  	s3 =	sand.u32 $0x4000, s31;
	s1 =	sadd.s32 s1, s30  }
0xbb: {  	s0 =	sor.u32 s3, s0;
	s1 =	sshll.u32 s1, $0x11  }
0xbc: {  	s0 =	sor.u32 s1, s0  }
0xbd: {  	s0 =	sadd.s32 $0x8F2B, s0  }
0xbe: {  	[sflag:s0] =	ssyncadd.remote.s32 $0x1  }
0xbf: {  	_ =	sfence.sel $0xFFFF  }
0xc0: {  	[dreg:$0x0] =	wrdreg $0xFFFFFFFF;
	(pc) =	sbr.abs _section_cstart, $3  }
0xc1: {  	[dreg:$0x1] =	wrdreg $0xFFFFFFFF  }
0xc2: {  	_ =	task.clear_ibuf [dreg:s7], $0x2FFFF;
	_ =	strace $0x9FFFFFFF  }
0xc3: {  	(tm) =	ssettm $0x7FFFFFFF  }
tec
execute0_lowered:
.L_overlay_start_1:
0x0: {  	(tag) =	ssettag $0x1  }
0x1: {  	s1 =	rddreg [dreg:$0x0]  }
0x2: {  	s0 =	rddreg [dreg:$0x1]  }
0x3: {  	s2 =	rddreg [dreg:$0x2];
	s3 =	simm.s32 $0x0  }
0x4: {  	s4 =	srdreg.scid;
	s12 =	stileid.u32;
	s28 =	simm.s32 $0x170  }
0x5: {  	s29 =	simm.s32 $0x600;
	s30 =	simm.s32 $0x3;
	s31 =	simm.s32 $0x2  }
0x6: {  	[smem:$0x7FF] =	sst s3;
	s4 =	sand.u32 $0x1, s4;
	s7 =	smul.u32 $0x2700, s12  }
0x7: {  	s5 =	sadd.s32 $0x3C00, s0;
	s16 =	sadd.s32 $0x8D800, s0;
	s18 =	smul.u32 $0x4E000, s12  }
0x8: {  	s14 =	sadd.s32 $0x138000, s2;
	s15 =	sadd.s32 $0x3F000, s0;
	p0 =	sne.s32 s12, $0xF  }
0x9: {  	s23 =	sshll.u32 s12, $0x6;
	_ =	strace $0x8000004D;
	s17 =	smul.u32 $0x138800, s4  }
0xa: {  	s6 =	sshll.u32 s4, $0x4;
	s9 =	ssub.s32 $0x2, s4;
	s22 =	smul.u32 $0x28400, s4  }
0xb: {  	s4 =	smul.u32 $0x27100, s4;
	s8 =	sor.u32 s12, s6;
	s6 =	sadd.s32 $0xDE00, s0  }
0xc: {  	s10 =	sadd.s32 s7, s0;
	s11 =	sshrl.u32 s9, $0x1;
	s8 =	smul.u32 $0x2840, s8  }
0xd: {  	s9 =	ssub.s32 s9, s11;
	s11 =	sshrl.u32 s18, $0x2;
	s10 =	sadd.s32 $0x18000, s10  }
0xe: {  	s18 =	smul.u32 $0x2840, s12;
	s24 =	sshrl.u32 s17, $0x3;
	s4 =	sadd.s32 s7, s4  }
0xf: {  	s21 =	sadd.s32 s11, s2;
	[dreg:$0x9] =	wrdreg s10;
	s0 =	sadd.s32 s16, s24  }
0x10: {  	s16 =	sadd.s32 s16, s4;
	s24 =	simm.s32 $0x480;
	s8 =	sshrl.u32 s8, $0x3  }
0x11: {  	[dreg:$0x8] =	wrdreg s21;
	s17 =	sadd.s32 $0x27000, s0;
	s13 =	sadd.s32 s5, s8  }
0x12: {  	s19 =	sadd.s32 s6, s8;
	s8 =	sadd.s32 $0x2E, s8;
	[dreg:$0x4] =	wrdreg s13  }
0x13: {  	s0 =	simm.s32 $0x0;
	[dreg:$0x5] =	wrdreg s19;
	s20 =	sadd.s32 s5, s8  }
0x14: {  	s8 =	sadd.s32 s6, s8;
	s13 =	sor.u32 $0x1C04, s23;
	[dreg:$0x6] =	wrdreg s20  }
0x15: {  	s23 =	simm.s32 $0x300;
	[dreg:$0x7] =	wrdreg s8;
	s8 =	sadd.s32 s18, s22  }
0x16: {  	s18 =	smax.u32 s9, $0x1;
	s22 =	simm.s32 $0x180;
	s25 =	sadd.s32 $0x450, s8  }
0x17: {  	s21 =	sadd.s32 $0x2E0, s8;
	s26 =	sshrl.u32 s25, $0x3;
	s25 =	simm.s32 $0x4  }
0x18: {  	s19 =	sadd.s32 s26, s6;
	s20 =	sadd.s32 s26, s5;
	s26 =	simm.s32 $0x1  }
.LBB2_1:
0x19: {  	s4 =	rddreg [dreg:$0x4]  }
0x1a: {  	s7 =	rddreg [dreg:$0x5]  }
0x1b: {  	s8 =	rddreg [dreg:$0x6]  }
0x1c: {  	[tilespmem:s3], [sflag:$0x1] =	stream.linear.gather [hbm4b:s4+s3], $0x170, $0x38;
	[tilespmem:$0x1F840] =	vst v63  }
0x1d: {  	s9 =	rddreg [dreg:$0x7]  }
0x1e: {  	[tilespmem:s22], [sflag:$0x1] =	stream.linear.gather [hbm4b:s7+s3], $0x170, $0x38;
	[tilespmem:$0x1F840] =	vst v63  }
0x1f: {  	s10 =	rddreg [dreg:$0x8]  }
0x20: {  	[tilespmem:s23], [sflag:$0x2] =	stream.linear.gather [hbm4b:s8+s3], $0x170, $0x38;
	[tilespmem:$0x1F840] =	vst v63  }
0x21: {  	s4 =	sshrl.u32 s10, $0x3;
	s7 =	rddreg [dreg:$0x9]  }
0x22: {  	[tilespmem:s24], [sflag:$0x2] =	stream.linear.gather [hbm4b:s9+s3], $0x170, $0x38;
	[tilespmem:$0x1F840] =	vst v63  }
0x23: {  	[spmem:s4], [sflag:s13] =	dma.local [hbm:s7], $0x2700  }
0x24: {  	_ =	swait.ge [sflag:s25], $0x2700  }
0x25: {  	[sflag:s25] =	ssyncset.done $0x0  }
0x26: {  	s8 =	simm.s32 @!p0 $0x4;
	s7 =	sshrl.u32 @!p0 s14, $0x3;
	[sflag:s25] =	ssyncadd.s32 $0xFFFFD900  }
0x27: {  	[spmem:s7], [sflag:s13] =	dma.local @!p0 [hbm:s15], $0x480  }
0x28: {  	_ =	swait.ge @!p0 [sflag:s8], $0x480  }
0x29: {  	[sflag:s8] =	ssyncset.done @!p0 $0x0  }
0x2a: {  	[sflag:s8] =	ssyncadd.s32 @!p0 $0xFFFFFB80  }
0x2b: {  	[bflag:$0x0] =	sbarrier.arrive $0xFFFF  }
0x2c: {  	_ =	swait.ge [sflag:s26], $0x170  }
0x2d: {  	[sflag:s26] =	ssyncset.done $0x0  }
0x2e: {  	[sflag:s26] =	ssyncadd.s32 $0xFFFFFE90  }
0x2f: {  	_ =	swait.ge [sflag:s26], $0x170  }
0x30: {  	[sflag:s26] =	ssyncset.done $0x0  }
0x31: {  	[sflag:s26] =	ssyncadd.s32 $0xFFFFFE90  }
0x32: {  	[tilespmem:s29], [sflag:$0x3] =	stream.indirect.gather [hbm4b:s1+s28], $0x80, s3, s28, $0xb8;
	[tilespmem:$0x1F840] =	vst v63  }
0x33: {  	_ =	swait.ge [sflag:s30], $0xB800  }
0x34: {  	[sflag:s30] =	ssyncset.done $0x0  }
0x35: {  	[sflag:s30] =	ssyncadd.s32 $0xFFFF4800  }
0x36: {  	[spmem:s2] =	stream.indirect.scatter.add.f32 [tilespmem:s29], [sflag:$0x4], $0x80, s22, s28, $0xb8;
	[tilespmem:$0x1F840] =	vst v63  }
0x37: {  	_ =	swait.ge [sflag:s25], $0xB800  }
0x38: {  	s11 =	sshrl.u32 s21, $0x3;
	[sflag:s25] =	ssyncset.done $0x0  }
0x39: {  	s9 =	sadd.s32 s5, s11;
	[sflag:s25] =	ssyncadd.s32 $0xFFFF4800  }
0x3a: {  	[tilespmem:s3], [sflag:$0x1] =	stream.linear.gather [hbm4b:s9+s3], $0x170, $0x38;
	[tilespmem:$0x1F840] =	vst v63  }
0x3b: {  	s8 =	sadd.s32 s6, s11  }
0x3c: {  	[tilespmem:s22], [sflag:$0x1] =	stream.linear.gather [hbm4b:s8+s3], $0x170, $0x38;
	[tilespmem:$0x1F840] =	vst v63  }
0x3d: {  	_ =	swait.ge [sflag:s31], $0x170  }
0x3e: {  	[sflag:s31] =	ssyncset.done $0x0  }
0x3f: {  	[sflag:s31] =	ssyncadd.s32 $0xFFFFFE90  }
0x40: {  	_ =	swait.ge [sflag:s31], $0x170  }
0x41: {  	[sflag:s31] =	ssyncset.done $0x0  }
0x42: {  	[sflag:s31] =	ssyncadd.s32 $0xFFFFFE90  }
0x43: {  	[tilespmem:s29], [sflag:$0x3] =	stream.indirect.gather [hbm4b:s1+s28], $0x80, s23, s28, $0xb8;
	[tilespmem:$0x1F840] =	vst v63  }
0x44: {  	_ =	swait.ge [sflag:s30], $0xB800  }
0x45: {  	[sflag:s30] =	ssyncset.done $0x0  }
0x46: {  	[sflag:s30] =	ssyncadd.s32 $0xFFFF4800  }
0x47: {  	[spmem:s2] =	stream.indirect.scatter.add.f32 [tilespmem:s29], [sflag:$0x4], $0x80, s24, s28, $0xb8;
	[tilespmem:$0x1F840] =	vst v63  }
0x48: {  	_ =	swait.ge [sflag:s25], $0xB800  }
0x49: {  	s12 =	sadd.s32 $0x0, s20;
	s10 =	sadd.s32 $0x0, s19;
	[sflag:s25] =	ssyncset.done $0x0  }
0x4a: {  	s9 =	sadd.s32 $0x2E0, s21;
	s8 =	simm.s32 $0x5C;
	[sflag:s25] =	ssyncadd.s32 $0xFFFF4800  }
0x4b: {  	[tilespmem:s23], [sflag:$0x2] =	stream.linear.gather [hbm4b:s12+s3], $0x170, $0x38;
	[tilespmem:$0x1F840] =	vst v63  }
.LBB2_2:
0x4c: {  	[tilespmem:s24], [sflag:$0x2] =	stream.linear.gather [hbm4b:s10+s3], $0x170, $0x38;
	[tilespmem:$0x1F840] =	vst v63  }
0x4d: {  	s10 =	smov.u32 s8  }
0x4e: {  	p1 =	sne.s32 s8, $0x450;
	s8 =	sadd.s32 $0x5C, s8;
	_ =	swait.ge [sflag:s26], $0x170  }
0x4f: {  	[sflag:s26] =	ssyncset.done $0x0  }
0x50: {  	[sflag:s26] =	ssyncadd.s32 $0xFFFFFE90  }
0x51: {  	_ =	swait.ge [sflag:s26], $0x170  }
0x52: {  	[sflag:s26] =	ssyncset.done $0x0  }
0x53: {  	[sflag:s26] =	ssyncadd.s32 $0xFFFFFE90  }
0x54: {  	[tilespmem:s29], [sflag:$0x3] =	stream.indirect.gather [hbm4b:s1+s28], $0x80, s3, s28, $0xb8;
	[tilespmem:$0x1F840] =	vst v63  }
0x55: {  	_ =	swait.ge [sflag:s30], $0xB800  }
0x56: {  	[sflag:s30] =	ssyncset.done $0x0  }
0x57: {  	[sflag:s30] =	ssyncadd.s32 $0xFFFF4800  }
0x58: {  	[spmem:s2] =	stream.indirect.scatter.add.f32 [tilespmem:s29], [sflag:$0x4], $0x80, s22, s28, $0xb8;
	[tilespmem:$0x1F840] =	vst v63  }
0x59: {  	_ =	swait.ge [sflag:s25], $0xB800  }
0x5a: {  	s11 =	sshrl.u32 s9, $0x3;
	[sflag:s25] =	ssyncset.done $0x0  }
0x5b: {  	s12 =	sadd.s32 s5, s11;
	[sflag:s25] =	ssyncadd.s32 $0xFFFF4800  }
0x5c: {  	[tilespmem:s3], [sflag:$0x1] =	stream.linear.gather [hbm4b:s12+s3], $0x170, $0x38;
	[tilespmem:$0x1F840] =	vst v63  }
0x5d: {  	s11 =	sadd.s32 s6, s11  }
0x5e: {  	[tilespmem:s22], [sflag:$0x1] =	stream.linear.gather [hbm4b:s11+s3], $0x170, $0x38;
	[tilespmem:$0x1F840] =	vst v63  }
0x5f: {  	_ =	swait.ge [sflag:s31], $0x170  }
0x60: {  	[sflag:s31] =	ssyncset.done $0x0  }
0x61: {  	[sflag:s31] =	ssyncadd.s32 $0xFFFFFE90  }
0x62: {  	_ =	swait.ge [sflag:s31], $0x170  }
0x63: {  	[sflag:s31] =	ssyncset.done $0x0  }
0x64: {  	[sflag:s31] =	ssyncadd.s32 $0xFFFFFE90  }
0x65: {  	[tilespmem:s29], [sflag:$0x3] =	stream.indirect.gather [hbm4b:s1+s28], $0x80, s23, s28, $0xb8;
	[tilespmem:$0x1F840] =	vst v63  }
0x66: {  	_ =	swait.ge [sflag:s30], $0xB800  }
0x67: {  	[sflag:s30] =	ssyncset.done $0x0  }
0x68: {  	[sflag:s30] =	ssyncadd.s32 $0xFFFF4800  }
0x69: {  	[spmem:s2] =	stream.indirect.scatter.add.f32 [tilespmem:s29], [sflag:$0x4], $0x80, s24, s28, $0xb8;
	[tilespmem:$0x1F840] =	vst v63  }
.Ltmp0:
0x6a: {  	_ =	swait.ge [sflag:s25], $0xB800;
	(pc) =	sbr.rel @p1 .LBB2_2-.Ltmp0, $4  }
0x6b: {  	[sflag:s25] =	ssyncset.done $0x0  }
0x6c: {  	s11 =	sadd.s32 s10, s20;
	[sflag:s25] =	ssyncadd.s32 $0xFFFF4800  }
0x6d: {  	[tilespmem:s23], [sflag:$0x2] =	stream.linear.gather [hbm4b:s11+s3], $0x170, $0x38;
	[tilespmem:$0x1F840] =	vst v63  }
0x6e: {  	s9 =	sadd.s32 $0x2E0, s9;
	s10 =	sadd.s32 s10, s19  }
0x6f: {  	[tilespmem:s24], [sflag:$0x2] =	stream.linear.gather [hbm4b:s10+s3], $0x170, $0x38;
	[tilespmem:$0x1F840] =	vst v63  }
0x70: {  	_ =	swait.ge [sflag:s26], $0x170  }
0x71: {  	[sflag:s26] =	ssyncset.done $0x0  }
0x72: {  	[sflag:s26] =	ssyncadd.s32 $0xFFFFFE90  }
0x73: {  	_ =	swait.ge [sflag:s26], $0x170  }
0x74: {  	[sflag:s26] =	ssyncset.done $0x0  }
0x75: {  	[sflag:s26] =	ssyncadd.s32 $0xFFFFFE90  }
0x76: {  	[tilespmem:s29], [sflag:$0x3] =	stream.indirect.gather [hbm4b:s1+s28], $0x80, s3, s28, $0xb8;
	[tilespmem:$0x1F840] =	vst v63  }
0x77: {  	_ =	swait.ge [sflag:s30], $0xB800  }
0x78: {  	[sflag:s30] =	ssyncset.done $0x0  }
0x79: {  	[sflag:s30] =	ssyncadd.s32 $0xFFFF4800  }
0x7a: {  	[spmem:s2] =	stream.indirect.scatter.add.f32 [tilespmem:s29], [sflag:$0x4], $0x80, s22, s28, $0xb8;
	[tilespmem:$0x1F840] =	vst v63  }
0x7b: {  	_ =	swait.ge [sflag:s25], $0xB800  }
0x7c: {  	[sflag:s25] =	ssyncset.done $0x0  }
0x7d: {  	[sflag:s25] =	ssyncadd.s32 $0xFFFF4800  }
0x7e: {  	_ =	swait.ge [sflag:s31], $0x170  }
0x7f: {  	[sflag:s31] =	ssyncset.done $0x0  }
0x80: {  	[sflag:s31] =	ssyncadd.s32 $0xFFFFFE90  }
0x81: {  	_ =	swait.ge [sflag:s31], $0x170  }
0x82: {  	[sflag:s31] =	ssyncset.done $0x0  }
0x83: {  	[sflag:s31] =	ssyncadd.s32 $0xFFFFFE90  }
0x84: {  	[tilespmem:s29], [sflag:$0x3] =	stream.indirect.gather [hbm4b:s1+s28], $0x80, s23, s28, $0xb8;
	[tilespmem:$0x1F840] =	vst v63  }
0x85: {  	_ =	swait.ge [sflag:s30], $0xB800  }
0x86: {  	[sflag:s30] =	ssyncset.done $0x0  }
0x87: {  	[sflag:s30] =	ssyncadd.s32 $0xFFFF4800  }
0x88: {  	[spmem:s2] =	stream.indirect.scatter.add.f32 [tilespmem:s29], [sflag:$0x4], $0x80, s24, s28, $0xb8;
	[tilespmem:$0x1F840] =	vst v63  }
0x89: {  	_ =	swait.ge [sflag:s25], $0xB800  }
0x8a: {  	[sflag:s25] =	ssyncset.done $0x0  }
0x8b: {  	[sflag:s25] =	ssyncadd.s32 $0xFFFF4800  }
0x8c: {  	[bflag:$0x0] =	sbarrier.arrive $0xFFFF  }
0x8d: {  	[hbm:s16], [sflag:s13] =	dma.local [spmem:s4], $0x2700  }
0x8e: {  	s0 =	sadd.s32 $0x1, s0;
	_ =	swait.ge [sflag:s25], $0x2700  }
0x8f: {  	p1 =	sne.s32 s0, s18;
	[sflag:s25] =	ssyncset.done $0x0  }
.Ltmp1:
0x90: {  	s4 =	simm.s32 @!p0 $0x4;
	[sflag:s25] =	ssyncadd.s32 $0xFFFFD900;
	(pc) =	sbr.rel @p1 .LBB2_1-.Ltmp1, $4  }
0x91: {  	[hbm:s17], [sflag:s13] =	dma.local @!p0 [spmem:s7], $0x100  }
0x92: {  	_ =	swait.ge @!p0 [sflag:s4], $0x100  }
0x93: {  	[sflag:s4] =	ssyncset.done @!p0 $0x0  }
0x94: {  	[sflag:s4] =	ssyncadd.s32 @!p0 $0xFFFFFF00  }
0x95: {  	_ =	sfence.sel $0x180000  }
0x96: {  	[bflag:$0x0] =	sbarrier.arrive $0xFFFF  }
0x97: {  	_ =	strace $0x9000004D  }
0x98: {  	s0 =	stileid.u32;
	[bflag:$0x2] =	sbarrier.arrive $0xFFFF  }
0x99: {  	p0 =	sne.s32 s0, $0x0;
	s0 =	rddreg [dreg:$0x3]  }
0x9a: {  	s0 =	sadd.s32 @!p0 $0x100000, s0  }
0x9b: {  	[sflag:s0] =	ssyncadd.tile.s32 @!p0 $0x1;
	_ =	shalt  }
.Lfunc_end2:
_tile_overlayer_lowered:
.L_overlay_start_2:
0x9c: {  	(tag) =	ssettag $0x2  }
0x9d: {  	s0 =	rddreg [dreg:$0x0];
	s2 =	stileid.u32  }
0x9e: {  	s1 =	rddreg [dreg:$0x1];
	p0 =	sne.s32 s2, $0x0  }
0x9f: {  	s3 =	rddreg [dreg:$0x2];
	[bflag:$0x3] =	sbarrier.arrive $0xFFFF;
	s2 =	simm.s32 @!p0 $0x1C04  }
0xa0: {  	[timem:s3], [sflag:s2] =	dma.local @!p0 [hbm:s0], s1  }
0xa1: {  	s0 =	simm.s32 @!p0 $0x4  }
0xa2: {  	_ =	swait.ge @!p0 [sflag:s0], s1  }
0xa3: {  	s1 =	ssub.s32 @!p0 $0x0, s1;
	[sflag:s0] =	ssyncset.done @!p0 $0x0  }
0xa4: {  	[sflag:s0] =	ssyncadd.s32 @!p0 s1  }
0xa5: {  	[bflag:$0x3] =	sbarrier.arrive $0xFFFF  }
0xa6: {  	_ =	shalt  }

</sc_bundles>
